<compile_context>
chip_gen: v7x
topology: tpu7x:2x2x1
jax: 0.10.2.dev20260603
libtpu: 0.0.44.dev20260713+nightly
codegen_flags: <defaults>
</compile_context>

<pallas_src>
import functools

import jax
import jax.numpy as jnp
from jax import lax
from jax.experimental import pallas as pl
from jax.experimental.pallas import tpu as pltpu
from jax.experimental.pallas import tpu_sc as plsc

_DN = (((1,), (0,)), ((), ()))


def _enc_kernel(x_ref, wi_ref, bi_ref, we_ref, be_ref, o_ref):
    h = lax.dot_general(x_ref[...], wi_ref[...], _DN,
                        preferred_element_type=jnp.float32) + bi_ref[...]
    o_ref[...] = lax.dot_general(h, we_ref[...], _DN,
                                 preferred_element_type=jnp.float32) + be_ref[...]


def _encode(roi, W_in, b_in, W_enc, b_enc, bn=512):
    n, k = roi.shape
    m = W_in.shape[1]
    return pl.pallas_call(
        _enc_kernel,
        grid=(n // bn,),
        in_specs=[pl.BlockSpec((bn, k), lambda i: (i, 0)),
                  pl.BlockSpec((k, m), lambda i: (0, 0)),
                  pl.BlockSpec((1, m), lambda i: (0, 0)),
                  pl.BlockSpec((m, m), lambda i: (0, 0)),
                  pl.BlockSpec((1, m), lambda i: (0, 0))],
        out_specs=pl.BlockSpec((bn, m), lambda i: (i, 0)),
        out_shape=jax.ShapeDtypeStruct((n, m), jnp.float32),
        compiler_params=pltpu.CompilerParams(vmem_limit_bytes=63 * 2 ** 20),
    )(roi, W_in, b_in.reshape(1, m), W_enc, b_enc.reshape(1, m))


def _sc_gather(table, idx):
    info = plsc.get_sparse_core_info()
    nw = info.num_cores * info.num_subcores
    b = idx.shape[0]
    d = table.shape[1]
    b_per_w = b // nw
    chunk = 32
    nch = b_per_w // chunk
    mesh = plsc.VectorSubcoreMesh(core_axis_name="c", subcore_axis_name="s")

    @functools.partial(
        pl.kernel, mesh=mesh,
        out_type=jax.ShapeDtypeStruct((b, d), jnp.float32),
        scratch_types=[pltpu.VMEM((chunk,), jnp.int32),
                       pltpu.VMEM((chunk,), jnp.int32),
                       pltpu.VMEM((chunk, d), jnp.float32),
                       pltpu.VMEM((chunk, d), jnp.float32),
                       pltpu.SemaphoreType.DMA,
                       pltpu.SemaphoreType.DMA],
    )
    def gather_k(table_hbm, idx_hbm, out_hbm, idx0, idx1, rows0, rows1,
                 sem0, sem1):
        wid = lax.axis_index("s") * info.num_cores + lax.axis_index("c")
        base = wid * b_per_w
        idx_bufs = (idx0, idx1)
        row_bufs = (rows0, rows1)
        sems = (sem0, sem1)
        pltpu.sync_copy(idx_hbm.at[pl.ds(base, chunk)], idx0)
        cps = [pltpu.async_copy(table_hbm.at[idx0], rows0, sem0), None]
        for c in range(nch):
            nxt = (c + 1) % 2
            if c + 1 < nch:
                pltpu.sync_copy(
                    idx_hbm.at[pl.ds(base + (c + 1) * chunk, chunk)],
                    idx_bufs[nxt])
                cps[nxt] = pltpu.async_copy(
                    table_hbm.at[idx_bufs[nxt]], row_bufs[nxt], sems[nxt])
            cps[c % 2].wait()
            pltpu.sync_copy(row_bufs[c % 2],
                            out_hbm.at[pl.ds(base + c * chunk, chunk)])

    return gather_k(table, idx)


def _dec_kernel(nb, nk, nm, zq_ref, ze_ref, roi_ref, wd_ref, bd_ref, wo_ref,
                bo_ref, recon_ref, loss_ref, acc_ref):
    i = pl.program_id(0)
    zq = zq_ref[...]
    decoded = lax.dot_general(zq, wd_ref[...], _DN,
                              preferred_element_type=jnp.float32) + bd_ref[...]
    recon = lax.dot_general(decoded, wo_ref[...], _DN,
                            preferred_element_type=jnp.float32) + bo_ref[...]
    recon_ref[...] = recon
    sq = jnp.sum((recon - roi_ref[...]) ** 2)
    emb_d = zq - ze_ref[...]
    emb = jnp.sum(emb_d * emb_d)
    lanes = lax.broadcasted_iota(jnp.int32, (1, 128), 1)
    part = jnp.where(lanes == 0, sq, 0.0) + jnp.where(lanes == 1, emb, 0.0)

    @pl.when(i == 0)
    def _():
        acc_ref[...] = jnp.zeros_like(acc_ref)

    acc_ref[...] += part

    @pl.when(i == nb - 1)
    def _():
        acc = acc_ref[...]
        recon_loss = acc[0, 0] / nk
        embedding_loss = acc[0, 1] / nm
        vq_loss = recon_loss + embedding_loss + 0.25 * embedding_loss
        loss_ref[...] = (jnp.where(lanes == 0, vq_loss, 0.0)
                         + jnp.where(lanes == 1, recon_loss, 0.0)
                         + jnp.where(lanes == 2, embedding_loss, 0.0))


def _decode(z_q, z_e, roi, W_dec, b_dec, W_out, b_out, bn=512):
    n, m = z_q.shape
    k = W_out.shape[1]
    nb = n // bn
    recon, losses = pl.pallas_call(
        functools.partial(_dec_kernel, nb, float(n * k), float(n * m)),
        grid=(nb,),
        in_specs=[pl.BlockSpec((bn, m), lambda i: (i, 0)),
                  pl.BlockSpec((bn, m), lambda i: (i, 0)),
                  pl.BlockSpec((bn, k), lambda i: (i, 0)),
                  pl.BlockSpec((m, m), lambda i: (0, 0)),
                  pl.BlockSpec((1, m), lambda i: (0, 0)),
                  pl.BlockSpec((m, k), lambda i: (0, 0)),
                  pl.BlockSpec((1, k), lambda i: (0, 0))],
        out_specs=[pl.BlockSpec((bn, k), lambda i: (i, 0)),
                   pl.BlockSpec((1, 128), lambda i: (0, 0))],
        out_shape=[jax.ShapeDtypeStruct((n, k), jnp.float32),
                   jax.ShapeDtypeStruct((1, 128), jnp.float32)],
        scratch_shapes=[pltpu.VMEM((1, 128), jnp.float32)],
        compiler_params=pltpu.CompilerParams(vmem_limit_bytes=63 * 2 ** 20),
    )(z_q, z_e, roi, W_dec, b_dec.reshape(1, m), W_out, b_out.reshape(1, k))
    return recon, losses


def kernel(roi_feats, W_in, b_in, W_enc, b_enc, codebook, W_dec, b_dec, W_out, b_out):
    z_e = _encode(roi_feats, W_in, b_in, W_enc, b_enc)
    z_e_flat = z_e.reshape(-1, z_e.shape[-1])
    d = (jnp.sum(z_e_flat ** 2, axis=1, keepdims=True)
         - 2.0 * (z_e_flat @ codebook.T)
         + jnp.sum(codebook ** 2, axis=1))
    min_encoding_indices = jnp.argmin(d, axis=-1)
    z_q = _sc_gather(codebook, min_encoding_indices)
    recon, losses = _decode(z_q, z_e, roi_feats, W_dec, b_dec, W_out, b_out)
    vq_loss = losses[0, 0]
    recon_loss = losses[0, 1]
    embedding_loss = losses[0, 2]
    commitment_loss = embedding_loss
    return (min_encoding_indices, z_q, recon, vq_loss, recon_loss,
            embedding_loss, commitment_loss)

# --- scband reference (transcript-rebuilt; emitter-appended) ---
"""Pipeline reference for scband-vqvaequantizer-10986526343668 (READ-ONLY COPY).

The authoritative reference and input builder live on the scoring server;
editing this copy changes nothing except your own understanding.
"""

import jax, jax.numpy as jnp
import numpy as np


def _linear_params(k, fan_in, fan_out):
    kw, kb = jax.random.split(k)
    bound = 1.0 / np.sqrt(fan_in)
    W = jax.random.uniform(kw, (fan_in, fan_out), minval=-bound, maxval=bound, dtype=jnp.float32)
    b = jax.random.uniform(kb, (fan_out,), minval=-bound, maxval=bound, dtype=jnp.float32)
    return W, b


def setup_inputs(seed: int = 0):
    key = jax.random.key(seed)
    ks = jax.random.split(key, 6)
    N, input_dim, dim, K = 4096, 2048, 1024, 8192
    roi_feats = jax.random.normal(ks[0], (N, input_dim), dtype=jnp.float32)
    W_in, b_in = _linear_params(ks[1], input_dim, dim)
    W_enc, b_enc = _linear_params(ks[2], dim, dim)
    W_dec, b_dec = _linear_params(ks[3], dim, dim)
    W_out, b_out = _linear_params(ks[4], dim, input_dim)
    codebook = jax.random.uniform(ks[5], (K, dim), minval=-1.0 / K, maxval=1.0 / K, dtype=jnp.float32)
    return {"roi_feats": roi_feats, "W_in": W_in, "b_in": b_in, "W_enc": W_enc, "b_enc": b_enc,
            "codebook": codebook, "W_dec": W_dec, "b_dec": b_dec, "W_out": W_out, "b_out": b_out}


def reference(roi_feats, W_in, b_in, W_enc, b_enc, codebook, W_dec, b_dec, W_out, b_out):
    commitment_cost = 0.25
    z_e = (roi_feats @ W_in + b_in) @ W_enc + b_enc
    z_e_flat = z_e.reshape(-1, z_e.shape[-1])
    d = (jnp.sum(z_e_flat ** 2, axis=1, keepdims=True)
         - 2.0 * (z_e_flat @ codebook.T)
         + jnp.sum(codebook ** 2, axis=1))
    min_encoding_indices = jnp.argmin(d, axis=-1)
    z_q = jnp.take(codebook, min_encoding_indices, axis=0)
    z_q = z_e + jax.lax.stop_gradient(z_q - z_e)
    decoded = z_q @ W_dec + b_dec
    recon = decoded @ W_out + b_out
    recon_loss = jnp.mean((recon - roi_feats) ** 2)
    embedding_loss = jnp.mean((jax.lax.stop_gradient(z_q) - z_e) ** 2)
    commitment_loss = jnp.mean((z_q - jax.lax.stop_gradient(z_e)) ** 2)
    vq_loss = recon_loss + embedding_loss + commitment_cost * commitment_loss
    return (min_encoding_indices, z_q, recon, vq_loss, recon_loss, embedding_loss, commitment_loss)

if __name__ == "__main__":
    import jax
    _d = setup_inputs()
    print(jax.jit(kernel)(*tuple(_d.values())))

</pallas_src>

<mosaic_0001>
#map = affine_map<(d0, d1) -> (0, 0)>
#map1 = affine_map<(d0, d1) -> (0)>
module attributes {stable_mosaic.version = 14 : i64} {
  func.func @gather_k(%arg0: i32, %arg1: i32, %arg2: memref<8192x1024xf32, #tpu.memory_space<hbm>>, %arg3: memref<4096xi32, #tpu.memory_space<hbm>>, %arg4: memref<4096x1024xf32, #tpu.memory_space<hbm>>, %arg5: memref<32xi32, #tpu.memory_space<vmem>>, %arg6: memref<32xi32, #tpu.memory_space<vmem>>, %arg7: memref<32x1024xf32, #tpu.memory_space<vmem>>, %arg8: memref<32x1024xf32, #tpu.memory_space<vmem>>, %arg9: memref<!tpu.dma_semaphore, #tpu.memory_space<semaphore_mem>>, %arg10: memref<!tpu.dma_semaphore, #tpu.memory_space<semaphore_mem>>) attributes {dimension_semantics = [#tpu.dimension_semantics<core_parallel>, #tpu.dimension_semantics<subcore_parallel>], iteration_bounds = array<i64: 2, 16>, scalar_prefetch = 0 : i64, scratch_operands = 6 : i64, tpu.core_type = #tpu.core_type<sc_vector_subcore>, window_params = [{transform_indices = #map}, {transform_indices = #map1}, {transform_indices = #map}]} {
    %mul3A = arith.constant 2 : i32
    %mul3A_0 = arith.muli %arg1, %mul3A : i32
    %add3A = arith.addi %mul3A_0, %arg0 : i32
    %mul3A_1 = arith.constant 128 : i32
    %mul3A_2 = arith.muli %add3A, %mul3A_1 : i32
    "tpu.region"() ({
      %run_scoped3A = tpu.sem_alloc : memref<!tpu.dma_semaphore, #tpu.memory_space<semaphore_mem>>
      %dma_start3A_39 = tpu.memref_slice %arg3[%mul3A_2] : memref<4096xi32, #tpu.memory_space<hbm>> -> memref<32xi32, #tpu.memory_space<hbm>>
      %dma_start3A_40 = tpu.memref_slice %arg3[%mul3A_2] : memref<4096xi32, #tpu.memory_space<hbm>> -> memref<32xi32, #tpu.memory_space<hbm>>
      tpu.enqueue_dma source(%dma_start3A_40 : memref<32xi32, #tpu.memory_space<hbm>>) target(%arg5 : memref<32xi32, #tpu.memory_space<vmem>>) target_semaphore(%run_scoped3A : memref<!tpu.dma_semaphore, #tpu.memory_space<semaphore_mem>>)
      %dma_wait3A_41 = tpu.memref_slice %arg3[%mul3A_2] : memref<4096xi32, #tpu.memory_space<hbm>> -> memref<32xi32, #tpu.memory_space<hbm>>
      %dma_wait3A_42 = tpu.memref_slice %arg3[%mul3A_2] : memref<4096xi32, #tpu.memory_space<hbm>> -> memref<32xi32, #tpu.memory_space<hbm>>
      tpu.wait_dma2 semaphore(%run_scoped3A : memref<!tpu.dma_semaphore, #tpu.memory_space<semaphore_mem>>) src(%dma_wait3A_42 : memref<32xi32, #tpu.memory_space<hbm>>) dst(%arg5 : memref<32xi32, #tpu.memory_space<vmem>>)
      tpu.yield
    }) : () -> ()
    %dma_start3A = arith.constant 0 : i32
    %dma_start3A_3 = arith.constant 0 : i32
    %dma_start3A_4 = tpu.memref_slice %arg2[%dma_start3A, %dma_start3A_3] : memref<8192x1024xf32, #tpu.memory_space<hbm>> -> memref<8192x1024xf32, #tpu.memory_space<hbm>>
    tpu.enqueue_indirect_dma source(%dma_start3A_4 : memref<8192x1024xf32, #tpu.memory_space<hbm>>) target(%arg7 : memref<32x1024xf32, #tpu.memory_space<vmem>>) offsets(%arg5 : memref<32xi32, #tpu.memory_space<vmem>>) semaphore(%arg9 : memref<!tpu.dma_semaphore, #tpu.memory_space<semaphore_mem>>)
    %add3A_5 = arith.constant 32 : i32
    %add3A_6 = arith.addi %mul3A_2, %add3A_5 : i32
    "tpu.region"() ({
      %run_scoped3A = tpu.sem_alloc : memref<!tpu.dma_semaphore, #tpu.memory_space<semaphore_mem>>
      %dma_start3A_39 = tpu.memref_slice %arg3[%add3A_6] : memref<4096xi32, #tpu.memory_space<hbm>> -> memref<32xi32, #tpu.memory_space<hbm>>
      %dma_start3A_40 = tpu.memref_slice %arg3[%add3A_6] : memref<4096xi32, #tpu.memory_space<hbm>> -> memref<32xi32, #tpu.memory_space<hbm>>
      tpu.enqueue_dma source(%dma_start3A_40 : memref<32xi32, #tpu.memory_space<hbm>>) target(%arg6 : memref<32xi32, #tpu.memory_space<vmem>>) target_semaphore(%run_scoped3A : memref<!tpu.dma_semaphore, #tpu.memory_space<semaphore_mem>>)
      %dma_wait3A_41 = tpu.memref_slice %arg3[%add3A_6] : memref<4096xi32, #tpu.memory_space<hbm>> -> memref<32xi32, #tpu.memory_space<hbm>>
      %dma_wait3A_42 = tpu.memref_slice %arg3[%add3A_6] : memref<4096xi32, #tpu.memory_space<hbm>> -> memref<32xi32, #tpu.memory_space<hbm>>
      tpu.wait_dma2 semaphore(%run_scoped3A : memref<!tpu.dma_semaphore, #tpu.memory_space<semaphore_mem>>) src(%dma_wait3A_42 : memref<32xi32, #tpu.memory_space<hbm>>) dst(%arg6 : memref<32xi32, #tpu.memory_space<vmem>>)
      tpu.yield
    }) : () -> ()
    %dma_start3A_7 = arith.constant 0 : i32
    %dma_start3A_8 = arith.constant 0 : i32
    %dma_start3A_9 = tpu.memref_slice %arg2[%dma_start3A_7, %dma_start3A_8] : memref<8192x1024xf32, #tpu.memory_space<hbm>> -> memref<8192x1024xf32, #tpu.memory_space<hbm>>
    tpu.enqueue_indirect_dma source(%dma_start3A_9 : memref<8192x1024xf32, #tpu.memory_space<hbm>>) target(%arg8 : memref<32x1024xf32, #tpu.memory_space<vmem>>) offsets(%arg6 : memref<32xi32, #tpu.memory_space<vmem>>) semaphore(%arg10 : memref<!tpu.dma_semaphore, #tpu.memory_space<semaphore_mem>>)
    %dma_wait3A = arith.constant 0 : i32
    %dma_wait3A_10 = arith.constant 0 : i32
    %dma_wait3A_11 = tpu.memref_slice %arg2[%dma_wait3A, %dma_wait3A_10] : memref<8192x1024xf32, #tpu.memory_space<hbm>> -> memref<8192x1024xf32, #tpu.memory_space<hbm>>
    tpu.wait_indirect_dma semaphore(%arg9 : memref<!tpu.dma_semaphore, #tpu.memory_space<semaphore_mem>>) src(%dma_wait3A_11 : memref<8192x1024xf32, #tpu.memory_space<hbm>>) dst(%arg7 : memref<32x1024xf32, #tpu.memory_space<vmem>>)
    %add3A_12 = arith.constant 0 : i32
    %add3A_13 = arith.addi %mul3A_2, %add3A_12 : i32
    "tpu.region"() ({
      %run_scoped3A = tpu.sem_alloc : memref<!tpu.dma_semaphore, #tpu.memory_space<semaphore_mem>>
      %dma_start3A_39 = arith.constant 0 : i32
      %dma_start3A_40 = tpu.memref_slice %arg4[%add3A_13, %dma_start3A_39] : memref<4096x1024xf32, #tpu.memory_space<hbm>> -> memref<32x1024xf32, #tpu.memory_space<hbm>>
      %dma_start3A_41 = arith.constant 0 : i32
      %dma_start3A_42 = tpu.memref_slice %arg4[%add3A_13, %dma_start3A_41] : memref<4096x1024xf32, #tpu.memory_space<hbm>> -> memref<32x1024xf32, #tpu.memory_space<hbm>>
      tpu.enqueue_dma source(%arg7 : memref<32x1024xf32, #tpu.memory_space<vmem>>) target(%dma_start3A_42 : memref<32x1024xf32, #tpu.memory_space<hbm>>) target_semaphore(%run_scoped3A : memref<!tpu.dma_semaphore, #tpu.memory_space<semaphore_mem>>)
      %dma_wait3A_43 = arith.constant 0 : i32
      %dma_wait3A_44 = tpu.memref_slice %arg4[%add3A_13, %dma_wait3A_43] : memref<4096x1024xf32, #tpu.memory_space<hbm>> -> memref<32x1024xf32, #tpu.memory_space<hbm>>
      %dma_wait3A_45 = arith.constant 0 : i32
      %dma_wait3A_46 = tpu.memref_slice %arg4[%add3A_13, %dma_wait3A_45] : memref<4096x1024xf32, #tpu.memory_space<hbm>> -> memref<32x1024xf32, #tpu.memory_space<hbm>>
      tpu.wait_dma2 semaphore(%run_scoped3A : memref<!tpu.dma_semaphore, #tpu.memory_space<semaphore_mem>>) src(%arg7 : memref<32x1024xf32, #tpu.memory_space<vmem>>) dst(%dma_wait3A_46 : memref<32x1024xf32, #tpu.memory_space<hbm>>)
      tpu.yield
    }) : () -> ()
    %add3A_14 = arith.constant 64 : i32
    %add3A_15 = arith.addi %mul3A_2, %add3A_14 : i32
    "tpu.region"() ({
      %run_scoped3A = tpu.sem_alloc : memref<!tpu.dma_semaphore, #tpu.memory_space<semaphore_mem>>
      %dma_start3A_39 = tpu.memref_slice %arg3[%add3A_15] : memref<4096xi32, #tpu.memory_space<hbm>> -> memref<32xi32, #tpu.memory_space<hbm>>
      %dma_start3A_40 = tpu.memref_slice %arg3[%add3A_15] : memref<4096xi32, #tpu.memory_space<hbm>> -> memref<32xi32, #tpu.memory_space<hbm>>
      tpu.enqueue_dma source(%dma_start3A_40 : memref<32xi32, #tpu.memory_space<hbm>>) target(%arg5 : memref<32xi32, #tpu.memory_space<vmem>>) target_semaphore(%run_scoped3A : memref<!tpu.dma_semaphore, #tpu.memory_space<semaphore_mem>>)
      %dma_wait3A_41 = tpu.memref_slice %arg3[%add3A_15] : memref<4096xi32, #tpu.memory_space<hbm>> -> memref<32xi32, #tpu.memory_space<hbm>>
      %dma_wait3A_42 = tpu.memref_slice %arg3[%add3A_15] : memref<4096xi32, #tpu.memory_space<hbm>> -> memref<32xi32, #tpu.memory_space<hbm>>
      tpu.wait_dma2 semaphore(%run_scoped3A : memref<!tpu.dma_semaphore, #tpu.memory_space<semaphore_mem>>) src(%dma_wait3A_42 : memref<32xi32, #tpu.memory_space<hbm>>) dst(%arg5 : memref<32xi32, #tpu.memory_space<vmem>>)
      tpu.yield
    }) : () -> ()
    %dma_start3A_16 = arith.constant 0 : i32
    %dma_start3A_17 = arith.constant 0 : i32
    %dma_start3A_18 = tpu.memref_slice %arg2[%dma_start3A_16, %dma_start3A_17] : memref<8192x1024xf32, #tpu.memory_space<hbm>> -> memref<8192x1024xf32, #tpu.memory_space<hbm>>
    tpu.enqueue_indirect_dma source(%dma_start3A_18 : memref<8192x1024xf32, #tpu.memory_space<hbm>>) target(%arg7 : memref<32x1024xf32, #tpu.memory_space<vmem>>) offsets(%arg5 : memref<32xi32, #tpu.memory_space<vmem>>) semaphore(%arg9 : memref<!tpu.dma_semaphore, #tpu.memory_space<semaphore_mem>>)
    %dma_wait3A_19 = arith.constant 0 : i32
    %dma_wait3A_20 = arith.constant 0 : i32
    %dma_wait3A_21 = tpu.memref_slice %arg2[%dma_wait3A_19, %dma_wait3A_20] : memref<8192x1024xf32, #tpu.memory_space<hbm>> -> memref<8192x1024xf32, #tpu.memory_space<hbm>>
    tpu.wait_indirect_dma semaphore(%arg10 : memref<!tpu.dma_semaphore, #tpu.memory_space<semaphore_mem>>) src(%dma_wait3A_21 : memref<8192x1024xf32, #tpu.memory_space<hbm>>) dst(%arg8 : memref<32x1024xf32, #tpu.memory_space<vmem>>)
    %add3A_22 = arith.constant 32 : i32
    %add3A_23 = arith.addi %mul3A_2, %add3A_22 : i32
    "tpu.region"() ({
      %run_scoped3A = tpu.sem_alloc : memref<!tpu.dma_semaphore, #tpu.memory_space<semaphore_mem>>
      %dma_start3A_39 = arith.constant 0 : i32
      %dma_start3A_40 = tpu.memref_slice %arg4[%add3A_23, %dma_start3A_39] : memref<4096x1024xf32, #tpu.memory_space<hbm>> -> memref<32x1024xf32, #tpu.memory_space<hbm>>
      %dma_start3A_41 = arith.constant 0 : i32
      %dma_start3A_42 = tpu.memref_slice %arg4[%add3A_23, %dma_start3A_41] : memref<4096x1024xf32, #tpu.memory_space<hbm>> -> memref<32x1024xf32, #tpu.memory_space<hbm>>
      tpu.enqueue_dma source(%arg8 : memref<32x1024xf32, #tpu.memory_space<vmem>>) target(%dma_start3A_42 : memref<32x1024xf32, #tpu.memory_space<hbm>>) target_semaphore(%run_scoped3A : memref<!tpu.dma_semaphore, #tpu.memory_space<semaphore_mem>>)
      %dma_wait3A_43 = arith.constant 0 : i32
      %dma_wait3A_44 = tpu.memref_slice %arg4[%add3A_23, %dma_wait3A_43] : memref<4096x1024xf32, #tpu.memory_space<hbm>> -> memref<32x1024xf32, #tpu.memory_space<hbm>>
      %dma_wait3A_45 = arith.constant 0 : i32
      %dma_wait3A_46 = tpu.memref_slice %arg4[%add3A_23, %dma_wait3A_45] : memref<4096x1024xf32, #tpu.memory_space<hbm>> -> memref<32x1024xf32, #tpu.memory_space<hbm>>
      tpu.wait_dma2 semaphore(%run_scoped3A : memref<!tpu.dma_semaphore, #tpu.memory_space<semaphore_mem>>) src(%arg8 : memref<32x1024xf32, #tpu.memory_space<vmem>>) dst(%dma_wait3A_46 : memref<32x1024xf32, #tpu.memory_space<hbm>>)
      tpu.yield
    }) : () -> ()
    %add3A_24 = arith.constant 96 : i32
    %add3A_25 = arith.addi %mul3A_2, %add3A_24 : i32
    "tpu.region"() ({
      %run_scoped3A = tpu.sem_alloc : memref<!tpu.dma_semaphore, #tpu.memory_space<semaphore_mem>>
      %dma_start3A_39 = tpu.memref_slice %arg3[%add3A_25] : memref<4096xi32, #tpu.memory_space<hbm>> -> memref<32xi32, #tpu.memory_space<hbm>>
      %dma_start3A_40 = tpu.memref_slice %arg3[%add3A_25] : memref<4096xi32, #tpu.memory_space<hbm>> -> memref<32xi32, #tpu.memory_space<hbm>>
      tpu.enqueue_dma source(%dma_start3A_40 : memref<32xi32, #tpu.memory_space<hbm>>) target(%arg6 : memref<32xi32, #tpu.memory_space<vmem>>) target_semaphore(%run_scoped3A : memref<!tpu.dma_semaphore, #tpu.memory_space<semaphore_mem>>)
      %dma_wait3A_41 = tpu.memref_slice %arg3[%add3A_25] : memref<4096xi32, #tpu.memory_space<hbm>> -> memref<32xi32, #tpu.memory_space<hbm>>
      %dma_wait3A_42 = tpu.memref_slice %arg3[%add3A_25] : memref<4096xi32, #tpu.memory_space<hbm>> -> memref<32xi32, #tpu.memory_space<hbm>>
      tpu.wait_dma2 semaphore(%run_scoped3A : memref<!tpu.dma_semaphore, #tpu.memory_space<semaphore_mem>>) src(%dma_wait3A_42 : memref<32xi32, #tpu.memory_space<hbm>>) dst(%arg6 : memref<32xi32, #tpu.memory_space<vmem>>)
      tpu.yield
    }) : () -> ()
    %dma_start3A_26 = arith.constant 0 : i32
    %dma_start3A_27 = arith.constant 0 : i32
    %dma_start3A_28 = tpu.memref_slice %arg2[%dma_start3A_26, %dma_start3A_27] : memref<8192x1024xf32, #tpu.memory_space<hbm>> -> memref<8192x1024xf32, #tpu.memory_space<hbm>>
    tpu.enqueue_indirect_dma source(%dma_start3A_28 : memref<8192x1024xf32, #tpu.memory_space<hbm>>) target(%arg8 : memref<32x1024xf32, #tpu.memory_space<vmem>>) offsets(%arg6 : memref<32xi32, #tpu.memory_space<vmem>>) semaphore(%arg10 : memref<!tpu.dma_semaphore, #tpu.memory_space<semaphore_mem>>)
    %dma_wait3A_29 = arith.constant 0 : i32
    %dma_wait3A_30 = arith.constant 0 : i32
    %dma_wait3A_31 = tpu.memref_slice %arg2[%dma_wait3A_29, %dma_wait3A_30] : memref<8192x1024xf32, #tpu.memory_space<hbm>> -> memref<8192x1024xf32, #tpu.memory_space<hbm>>
    tpu.wait_indirect_dma semaphore(%arg9 : memref<!tpu.dma_semaphore, #tpu.memory_space<semaphore_mem>>) src(%dma_wait3A_31 : memref<8192x1024xf32, #tpu.memory_space<hbm>>) dst(%arg7 : memref<32x1024xf32, #tpu.memory_space<vmem>>)
    %add3A_32 = arith.constant 64 : i32
    %add3A_33 = arith.addi %mul3A_2, %add3A_32 : i32
    "tpu.region"() ({
      %run_scoped3A = tpu.sem_alloc : memref<!tpu.dma_semaphore, #tpu.memory_space<semaphore_mem>>
      %dma_start3A_39 = arith.constant 0 : i32
      %dma_start3A_40 = tpu.memref_slice %arg4[%add3A_33, %dma_start3A_39] : memref<4096x1024xf32, #tpu.memory_space<hbm>> -> memref<32x1024xf32, #tpu.memory_space<hbm>>
      %dma_start3A_41 = arith.constant 0 : i32
      %dma_start3A_42 = tpu.memref_slice %arg4[%add3A_33, %dma_start3A_41] : memref<4096x1024xf32, #tpu.memory_space<hbm>> -> memref<32x1024xf32, #tpu.memory_space<hbm>>
      tpu.enqueue_dma source(%arg7 : memref<32x1024xf32, #tpu.memory_space<vmem>>) target(%dma_start3A_42 : memref<32x1024xf32, #tpu.memory_space<hbm>>) target_semaphore(%run_scoped3A : memref<!tpu.dma_semaphore, #tpu.memory_space<semaphore_mem>>)
      %dma_wait3A_43 = arith.constant 0 : i32
      %dma_wait3A_44 = tpu.memref_slice %arg4[%add3A_33, %dma_wait3A_43] : memref<4096x1024xf32, #tpu.memory_space<hbm>> -> memref<32x1024xf32, #tpu.memory_space<hbm>>
      %dma_wait3A_45 = arith.constant 0 : i32
      %dma_wait3A_46 = tpu.memref_slice %arg4[%add3A_33, %dma_wait3A_45] : memref<4096x1024xf32, #tpu.memory_space<hbm>> -> memref<32x1024xf32, #tpu.memory_space<hbm>>
      tpu.wait_dma2 semaphore(%run_scoped3A : memref<!tpu.dma_semaphore, #tpu.memory_space<semaphore_mem>>) src(%arg7 : memref<32x1024xf32, #tpu.memory_space<vmem>>) dst(%dma_wait3A_46 : memref<32x1024xf32, #tpu.memory_space<hbm>>)
      tpu.yield
    }) : () -> ()
    %dma_wait3A_34 = arith.constant 0 : i32
    %dma_wait3A_35 = arith.constant 0 : i32
    %dma_wait3A_36 = tpu.memref_slice %arg2[%dma_wait3A_34, %dma_wait3A_35] : memref<8192x1024xf32, #tpu.memory_space<hbm>> -> memref<8192x1024xf32, #tpu.memory_space<hbm>>
    tpu.wait_indirect_dma semaphore(%arg10 : memref<!tpu.dma_semaphore, #tpu.memory_space<semaphore_mem>>) src(%dma_wait3A_36 : memref<8192x1024xf32, #tpu.memory_space<hbm>>) dst(%arg8 : memref<32x1024xf32, #tpu.memory_space<vmem>>)
    %add3A_37 = arith.constant 96 : i32
    %add3A_38 = arith.addi %mul3A_2, %add3A_37 : i32
    "tpu.region"() ({
      %run_scoped3A = tpu.sem_alloc : memref<!tpu.dma_semaphore, #tpu.memory_space<semaphore_mem>>
      %dma_start3A_39 = arith.constant 0 : i32
      %dma_start3A_40 = tpu.memref_slice %arg4[%add3A_38, %dma_start3A_39] : memref<4096x1024xf32, #tpu.memory_space<hbm>> -> memref<32x1024xf32, #tpu.memory_space<hbm>>
      %dma_start3A_41 = arith.constant 0 : i32
      %dma_start3A_42 = tpu.memref_slice %arg4[%add3A_38, %dma_start3A_41] : memref<4096x1024xf32, #tpu.memory_space<hbm>> -> memref<32x1024xf32, #tpu.memory_space<hbm>>
      tpu.enqueue_dma source(%arg8 : memref<32x1024xf32, #tpu.memory_space<vmem>>) target(%dma_start3A_42 : memref<32x1024xf32, #tpu.memory_space<hbm>>) target_semaphore(%run_scoped3A : memref<!tpu.dma_semaphore, #tpu.memory_space<semaphore_mem>>)
      %dma_wait3A_43 = arith.constant 0 : i32
      %dma_wait3A_44 = tpu.memref_slice %arg4[%add3A_38, %dma_wait3A_43] : memref<4096x1024xf32, #tpu.memory_space<hbm>> -> memref<32x1024xf32, #tpu.memory_space<hbm>>
      %dma_wait3A_45 = arith.constant 0 : i32
      %dma_wait3A_46 = tpu.memref_slice %arg4[%add3A_38, %dma_wait3A_45] : memref<4096x1024xf32, #tpu.memory_space<hbm>> -> memref<32x1024xf32, #tpu.memory_space<hbm>>
      tpu.wait_dma2 semaphore(%run_scoped3A : memref<!tpu.dma_semaphore, #tpu.memory_space<semaphore_mem>>) src(%arg8 : memref<32x1024xf32, #tpu.memory_space<vmem>>) dst(%dma_wait3A_46 : memref<32x1024xf32, #tpu.memory_space<hbm>>)
      tpu.yield
    }) : () -> ()
    return
  }
}

module attributes {stable_mosaic.version = 14 : i64} {
  func.func @_enc_kernel(%arg0: i32, %arg1: memref<512x2048xf32, #tpu.memory_space<vmem>>, %arg2: memref<2048x1024xf32, #tpu.memory_space<vmem>>, %arg3: memref<1x1024xf32, #tpu.memory_space<vmem>>, %arg4: memref<1024x1024xf32, #tpu.memory_space<vmem>>, %arg5: memref<1x1024xf32, #tpu.memory_space<vmem>>, %arg6: memref<512x1024xf32, #tpu.memory_space<vmem>>) attributes {dimension_semantics = [#tpu.dimension_semantics<arbitrary>], iteration_bounds = array<i64: 8>, scalar_prefetch = 0 : i64, scratch_operands = 0 : i64, tpu.core_type = #tpu.core_type<tc>, window_params = [{transform_indices = @transform_0, window_bounds = array<i64: 512, 2048>}, {pipeline_mode = #tpu.pipeline_mode<synchronous>, transform_indices = @transform_1, window_bounds = array<i64: 2048, 1024>}, {pipeline_mode = #tpu.pipeline_mode<synchronous>, transform_indices = @transform_2, window_bounds = array<i64: 1, 1024>}, {pipeline_mode = #tpu.pipeline_mode<synchronous>, transform_indices = @transform_3, window_bounds = array<i64: 1024, 1024>}, {pipeline_mode = #tpu.pipeline_mode<synchronous>, transform_indices = @transform_4, window_bounds = array<i64: 1, 1024>}, {transform_indices = @transform_5, window_bounds = array<i64: 512, 1024>}]} {
    %get3A = arith.constant 0 : index
    %get3A_0 = arith.constant 0 : index
    %get3A_1 = vector.load %arg1[%get3A, %get3A_0] : memref<512x2048xf32, #tpu.memory_space<vmem>>, vector<512x2048xf32>
    %get3A_2 = arith.constant 0 : index
    %get3A_3 = arith.constant 0 : index
    %get3A_4 = vector.load %arg2[%get3A_2, %get3A_3] : memref<2048x1024xf32, #tpu.memory_space<vmem>>, vector<2048x1024xf32>
    %dot_general3A = arith.constant dense<0.000000e+00> : vector<512x1024xf32>
    %dot_general3A_5 = tpu.matmul %get3A_1, %get3A_4, %dot_general3A {dimension_numbers = #tpu.dot_dimension_numbers<[1], [0], [0], [1], [0, 0, 1, 1], [], []>, transpose_lhs_hint = false} : vector<512x2048xf32>, vector<2048x1024xf32>, vector<512x1024xf32> -> vector<512x1024xf32>
    %get3A_6 = arith.constant 0 : index
    %get3A_7 = arith.constant 0 : index
    %get3A_8 = vector.load %arg3[%get3A_6, %get3A_7] : memref<1x1024xf32, #tpu.memory_space<vmem>>, vector<1x1024xf32>
    %add3A = vector.broadcast %get3A_8 : vector<1x1024xf32> to vector<512x1024xf32>
    %add3A_9 = arith.addf %dot_general3A_5, %add3A : vector<512x1024xf32>
    %get3A_10 = arith.constant 0 : index
    %get3A_11 = arith.constant 0 : index
    %get3A_12 = vector.load %arg4[%get3A_10, %get3A_11] : memref<1024x1024xf32, #tpu.memory_space<vmem>>, vector<1024x1024xf32>
    %dot_general3A_13 = arith.constant dense<0.000000e+00> : vector<512x1024xf32>
    %dot_general3A_14 = tpu.matmul %add3A_9, %get3A_12, %dot_general3A_13 {dimension_numbers = #tpu.dot_dimension_numbers<[1], [0], [0], [1], [0, 0, 1, 1], [], []>, transpose_lhs_hint = false} : vector<512x1024xf32>, vector<1024x1024xf32>, vector<512x1024xf32> -> vector<512x1024xf32>
    %get3A_15 = arith.constant 0 : index
    %get3A_16 = arith.constant 0 : index
    %get3A_17 = vector.load %arg5[%get3A_15, %get3A_16] : memref<1x1024xf32, #tpu.memory_space<vmem>>, vector<1x1024xf32>
    %add3A_18 = vector.broadcast %get3A_17 : vector<1x1024xf32> to vector<512x1024xf32>
    %add3A_19 = arith.addf %dot_general3A_14, %add3A_18 : vector<512x1024xf32>
    %swap3A = arith.constant 0 : index
    %swap3A_20 = arith.constant 0 : index
    %swap3A_21 = vector.load %arg6[%swap3A, %swap3A_20] : memref<512x1024xf32, #tpu.memory_space<vmem>>, vector<512x1024xf32>
    tpu.vector_store %arg6[%swap3A, %swap3A_20], %add3A_19 {strides = array<i32>} : memref<512x1024xf32, #tpu.memory_space<vmem>>, vector<512x1024xf32>,
    return
  }
  func.func @transform_0(%arg0: i32) -> (i32, i32) {
    %c0_i32 = arith.constant 0 : i32
    %c0_i32_0 = arith.constant 0 : i32
    return %arg0, %c0_i32 : i32, i32
  }
  func.func @transform_1(%arg0: i32) -> (i32, i32) {
    %c0_i32 = arith.constant 0 : i32
    %c0_i32_0 = arith.constant 0 : i32
    %c0_i32_1 = arith.constant 0 : i32
    return %c0_i32, %c0_i32_0 : i32, i32
  }
  func.func @transform_2(%arg0: i32) -> (i32, i32) {
    %c0_i32 = arith.constant 0 : i32
    %c0_i32_0 = arith.constant 0 : i32
    %c0_i32_1 = arith.constant 0 : i32
    return %c0_i32, %c0_i32_0 : i32, i32
  }
  func.func @transform_3(%arg0: i32) -> (i32, i32) {
    %c0_i32 = arith.constant 0 : i32
    %c0_i32_0 = arith.constant 0 : i32
    %c0_i32_1 = arith.constant 0 : i32
    return %c0_i32, %c0_i32_0 : i32, i32
  }
  func.func @transform_4(%arg0: i32) -> (i32, i32) {
    %c0_i32 = arith.constant 0 : i32
    %c0_i32_0 = arith.constant 0 : i32
    %c0_i32_1 = arith.constant 0 : i32
    return %c0_i32, %c0_i32_0 : i32, i32
  }
  func.func @transform_5(%arg0: i32) -> (i32, i32) {
    %c0_i32 = arith.constant 0 : i32
    %c0_i32_0 = arith.constant 0 : i32
    return %arg0, %c0_i32 : i32, i32
  }
}

module attributes {stable_mosaic.version = 14 : i64} {
  func.func @_dec_kernel(%arg0: i32, %arg1: memref<512x1024xf32, #tpu.memory_space<vmem>>, %arg2: memref<512x1024xf32, #tpu.memory_space<vmem>>, %arg3: memref<512x2048xf32, #tpu.memory_space<vmem>>, %arg4: memref<1024x1024xf32, #tpu.memory_space<vmem>>, %arg5: memref<1x1024xf32, #tpu.memory_space<vmem>>, %arg6: memref<1024x2048xf32, #tpu.memory_space<vmem>>, %arg7: memref<1x2048xf32, #tpu.memory_space<vmem>>, %arg8: memref<512x2048xf32, #tpu.memory_space<vmem>>, %arg9: memref<1x128xf32, #tpu.memory_space<vmem>>, %arg10: memref<1x128xf32, #tpu.memory_space<vmem>>) attributes {dimension_semantics = [#tpu.dimension_semantics<arbitrary>], iteration_bounds = array<i64: 8>, scalar_prefetch = 0 : i64, scratch_operands = 1 : i64, tpu.core_type = #tpu.core_type<tc>, window_params = [{transform_indices = @transform_0, window_bounds = array<i64: 512, 1024>}, {transform_indices = @transform_1, window_bounds = array<i64: 512, 1024>}, {transform_indices = @transform_2, window_bounds = array<i64: 512, 2048>}, {pipeline_mode = #tpu.pipeline_mode<synchronous>, transform_indices = @transform_3, window_bounds = array<i64: 1024, 1024>}, {pipeline_mode = #tpu.pipeline_mode<synchronous>, transform_indices = @transform_4, window_bounds = array<i64: 1, 1024>}, {pipeline_mode = #tpu.pipeline_mode<synchronous>, transform_indices = @transform_5, window_bounds = array<i64: 1024, 2048>}, {pipeline_mode = #tpu.pipeline_mode<synchronous>, transform_indices = @transform_6, window_bounds = array<i64: 1, 2048>}, {transform_indices = @transform_7, window_bounds = array<i64: 512, 2048>}, {pipeline_mode = #tpu.pipeline_mode<synchronous>, transform_indices = @transform_8, window_bounds = array<i64: 1, 128>}]} {
    %get3A = arith.constant 0 : index
    %get3A_0 = arith.constant 0 : index
    %get3A_1 = vector.load %arg1[%get3A, %get3A_0] : memref<512x1024xf32, #tpu.memory_space<vmem>>, vector<512x1024xf32>
    %get3A_2 = arith.constant 0 : index
    %get3A_3 = arith.constant 0 : index
    %get3A_4 = vector.load %arg4[%get3A_2, %get3A_3] : memref<1024x1024xf32, #tpu.memory_space<vmem>>, vector<1024x1024xf32>
    %dot_general3A = arith.constant dense<0.000000e+00> : vector<512x1024xf32>
    %dot_general3A_5 = tpu.matmul %get3A_1, %get3A_4, %dot_general3A {dimension_numbers = #tpu.dot_dimension_numbers<[1], [0], [0], [1], [0, 0, 1, 1], [], []>, transpose_lhs_hint = false} : vector<512x1024xf32>, vector<1024x1024xf32>, vector<512x1024xf32> -> vector<512x1024xf32>
    %get3A_6 = arith.constant 0 : index
    %get3A_7 = arith.constant 0 : index
    %get3A_8 = vector.load %arg5[%get3A_6, %get3A_7] : memref<1x1024xf32, #tpu.memory_space<vmem>>, vector<1x1024xf32>
    %add3A = vector.broadcast %get3A_8 : vector<1x1024xf32> to vector<512x1024xf32>
    %add3A_9 = arith.addf %dot_general3A_5, %add3A : vector<512x1024xf32>
    %get3A_10 = arith.constant 0 : index
    %get3A_11 = arith.constant 0 : index
    %get3A_12 = vector.load %arg6[%get3A_10, %get3A_11] : memref<1024x2048xf32, #tpu.memory_space<vmem>>, vector<1024x2048xf32>
    %dot_general3A_13 = arith.constant dense<0.000000e+00> : vector<512x2048xf32>
    %dot_general3A_14 = tpu.matmul %add3A_9, %get3A_12, %dot_general3A_13 {dimension_numbers = #tpu.dot_dimension_numbers<[1], [0], [0], [1], [0, 0, 1, 1], [], []>, transpose_lhs_hint = false} : vector<512x1024xf32>, vector<1024x2048xf32>, vector<512x2048xf32> -> vector<512x2048xf32>
    %get3A_15 = arith.constant 0 : index
    %get3A_16 = arith.constant 0 : index
    %get3A_17 = vector.load %arg7[%get3A_15, %get3A_16] : memref<1x2048xf32, #tpu.memory_space<vmem>>, vector<1x2048xf32>
    %add3A_18 = vector.broadcast %get3A_17 : vector<1x2048xf32> to vector<512x2048xf32>
    %add3A_19 = arith.addf %dot_general3A_14, %add3A_18 : vector<512x2048xf32>
    %swap3A = arith.constant 0 : index
    %swap3A_20 = arith.constant 0 : index
    %swap3A_21 = vector.load %arg8[%swap3A, %swap3A_20] : memref<512x2048xf32, #tpu.memory_space<vmem>>, vector<512x2048xf32>
    tpu.vector_store %arg8[%swap3A, %swap3A_20], %add3A_19 {strides = array<i32>} : memref<512x2048xf32, #tpu.memory_space<vmem>>, vector<512x2048xf32>,
    %get3A_22 = arith.constant 0 : index
    %get3A_23 = arith.constant 0 : index
    %get3A_24 = vector.load %arg3[%get3A_22, %get3A_23] : memref<512x2048xf32, #tpu.memory_space<vmem>>, vector<512x2048xf32>
    %sub3A = arith.subf %add3A_19, %get3A_24 : vector<512x2048xf32>
    %integer_pow3A = arith.mulf %sub3A, %sub3A : vector<512x2048xf32>
    %reduce_sum3A = vector.shape_cast %integer_pow3A : vector<512x2048xf32> to vector<1x512x2048xf32>
    %reduce_sum3A_25 = arith.constant dense<0.000000e+00> : vector<1xf32>
    %reduce_sum3A_26 = vector.multi_reduction <add>, %reduce_sum3A, %reduce_sum3A_25 [1, 2] : vector<1x512x2048xf32> to vector<1xf32>
    %reduce_sum3A_27 = vector.shape_cast %reduce_sum3A_26 : vector<1xf32> to vector<1x1x1xf32>
    %reduce_sum3A_28 = vector.extract %reduce_sum3A_27[0, 0, 0] : f32 from vector<1x1x1xf32>
    %get3A_29 = arith.constant 0 : index
    %get3A_30 = arith.constant 0 : index
    %get3A_31 = vector.load %arg2[%get3A_29, %get3A_30] : memref<512x1024xf32, #tpu.memory_space<vmem>>, vector<512x1024xf32>
    %sub3A_32 = arith.subf %get3A_1, %get3A_31 : vector<512x1024xf32>
    %mul3A = arith.mulf %sub3A_32, %sub3A_32 : vector<512x1024xf32>
    %reduce_sum3A_33 = vector.shape_cast %mul3A : vector<512x1024xf32> to vector<1x512x1024xf32>
    %reduce_sum3A_34 = arith.constant dense<0.000000e+00> : vector<1xf32>
    %reduce_sum3A_35 = vector.multi_reduction <add>, %reduce_sum3A_33, %reduce_sum3A_34 [1, 2] : vector<1x512x1024xf32> to vector<1xf32>
    %reduce_sum3A_36 = vector.shape_cast %reduce_sum3A_35 : vector<1xf32> to vector<1x1x1xf32>
    %reduce_sum3A_37 = vector.extract %reduce_sum3A_36[0, 0, 0] : f32 from vector<1x1x1xf32>
    %iota3A = tpu.iota {dimensions = array<i32: 1>} : vector<1x128xi32>
    %eq3A = arith.constant 0 : i32
    %eq3A_38 = vector.broadcast %eq3A : i32 to vector<1x128xi32>
    %eq3A_39 = arith.cmpi eq, %iota3A, %eq3A_38 : vector<1x128xi32>
    %jit3A = arith.constant 0.000000e+00 : f32
    %broadcast_in_dim3A = vector.broadcast %reduce_sum3A_28 : f32 to vector<1x128xf32>
    %broadcast_in_dim3A_40 = vector.broadcast %jit3A : f32 to vector<1x128xf32>
    %select_n3A = arith.select %eq3A_39, %broadcast_in_dim3A, %broadcast_in_dim3A_40 : vector<1x128xi1>, vector<1x128xf32>
    %eq3A_41 = arith.constant 1 : i32
    %eq3A_42 = vector.broadcast %eq3A_41 : i32 to vector<1x128xi32>
    %eq3A_43 = arith.cmpi eq, %iota3A, %eq3A_42 : vector<1x128xi32>
    %jit3A_44 = arith.constant 0.000000e+00 : f32
    %broadcast_in_dim3A_45 = vector.broadcast %reduce_sum3A_37 : f32 to vector<1x128xf32>
    %broadcast_in_dim3A_46 = vector.broadcast %jit3A_44 : f32 to vector<1x128xf32>
    %select_n3A_47 = arith.select %eq3A_43, %broadcast_in_dim3A_45, %broadcast_in_dim3A_46 : vector<1x128xi1>, vector<1x128xf32>
    %add3A_48 = arith.addf %select_n3A, %select_n3A_47 : vector<1x128xf32>
    %eq3A_49 = arith.constant 0 : i32
    %eq3A_50 = arith.cmpi eq, %arg0, %eq3A_49 : i32
    %convert_element_type3A = arith.extui %eq3A_50 : i1 to i32
    %cond3A = arith.constant 0 : i32
    %cond3A_51 = arith.cmpi ne, %convert_element_type3A, %cond3A : i32
    scf.if %cond3A_51 {
      %broadcast_in_dim3A_64 = arith.constant 0.000000e+00 : f32
      %broadcast_in_dim3A_65 = vector.broadcast %broadcast_in_dim3A_64 : f32 to vector<1x128xf32>
      %swap3A_66 = arith.constant 0 : index
      %swap3A_67 = arith.constant 0 : index
      %swap3A_68 = vector.load %arg10[%swap3A_66, %swap3A_67] : memref<1x128xf32, #tpu.memory_space<vmem>>, vector<1x128xf32>
      tpu.vector_store %arg10[%swap3A_66, %swap3A_67], %broadcast_in_dim3A_65 {strides = array<i32>} : memref<1x128xf32, #tpu.memory_space<vmem>>, vector<1x128xf32>,
    } else {
    }
    %get3A_52 = arith.constant 0 : index
    %get3A_53 = arith.constant 0 : index
    %get3A_54 = vector.load %arg10[%get3A_52, %get3A_53] : memref<1x128xf32, #tpu.memory_space<vmem>>, vector<1x128xf32>
    %add3A_55 = arith.addf %get3A_54, %add3A_48 : vector<1x128xf32>
    %swap3A_56 = arith.constant 0 : index
    %swap3A_57 = arith.constant 0 : index
    %swap3A_58 = vector.load %arg10[%swap3A_56, %swap3A_57] : memref<1x128xf32, #tpu.memory_space<vmem>>, vector<1x128xf32>
    tpu.vector_store %arg10[%swap3A_56, %swap3A_57], %add3A_55 {strides = array<i32>} : memref<1x128xf32, #tpu.memory_space<vmem>>, vector<1x128xf32>,
    %eq3A_59 = arith.constant 7 : i32
    %eq3A_60 = arith.cmpi eq, %arg0, %eq3A_59 : i32
    %convert_element_type3A_61 = arith.extui %eq3A_60 : i1 to i32
    %cond3A_62 = arith.constant 0 : i32
    %cond3A_63 = arith.cmpi ne, %convert_element_type3A_61, %cond3A_62 : i32
    scf.if %cond3A_63 {
      %get3A_64 = arith.constant 0 : index
      %get3A_65 = arith.constant 0 : index
      %get3A_66 = vector.load %arg10[%get3A_64, %get3A_65] : memref<1x128xf32, #tpu.memory_space<vmem>>, vector<1x128xf32>
      %slice3A = vector.extract_strided_slice %get3A_66 {offsets = [0, 0], sizes = [1, 1], strides = [1, 1]} : vector<1x128xf32> to vector<1x1xf32>
      %squeeze3A = vector.extract %slice3A[0, 0] : f32 from vector<1x1xf32>
      %div3A = arith.constant 0x4B000000 : f32
      %div3A_67 = arith.divf %squeeze3A, %div3A : f32
      %slice3A_68 = vector.extract_strided_slice %get3A_66 {offsets = [0, 1], sizes = [1, 1], strides = [1, 1]} : vector<1x128xf32> to vector<1x1xf32>
      %squeeze3A_69 = vector.extract %slice3A_68[0, 0] : f32 from vector<1x1xf32>
      %div3A_70 = arith.constant 0x4A800000 : f32
      %div3A_71 = arith.divf %squeeze3A_69, %div3A_70 : f32
      %add3A_72 = arith.addf %div3A_67, %div3A_71 : f32
      %mul3A_73 = arith.constant 2.500000e-01 : f32
      %mul3A_74 = arith.mulf %mul3A_73, %div3A_71 : f32
      %add3A_75 = arith.addf %add3A_72, %mul3A_74 : f32
      %eq3A_76 = arith.constant 0 : i32
      %eq3A_77 = vector.broadcast %eq3A_76 : i32 to vector<1x128xi32>
      %eq3A_78 = arith.cmpi eq, %iota3A, %eq3A_77 : vector<1x128xi32>
      %jit3A_79 = arith.constant 0.000000e+00 : f32
      %broadcast_in_dim3A_80 = vector.broadcast %add3A_75 : f32 to vector<1x128xf32>
      %broadcast_in_dim3A_81 = vector.broadcast %jit3A_79 : f32 to vector<1x128xf32>
      %select_n3A_82 = arith.select %eq3A_78, %broadcast_in_dim3A_80, %broadcast_in_dim3A_81 : vector<1x128xi1>, vector<1x128xf32>
      %eq3A_83 = arith.constant 1 : i32
      %eq3A_84 = vector.broadcast %eq3A_83 : i32 to vector<1x128xi32>
      %eq3A_85 = arith.cmpi eq, %iota3A, %eq3A_84 : vector<1x128xi32>
      %jit3A_86 = arith.constant 0.000000e+00 : f32
      %broadcast_in_dim3A_87 = vector.broadcast %div3A_67 : f32 to vector<1x128xf32>
      %broadcast_in_dim3A_88 = vector.broadcast %jit3A_86 : f32 to vector<1x128xf32>
      %select_n3A_89 = arith.select %eq3A_85, %broadcast_in_dim3A_87, %broadcast_in_dim3A_88 : vector<1x128xi1>, vector<1x128xf32>
      %add3A_90 = arith.addf %select_n3A_82, %select_n3A_89 : vector<1x128xf32>
      %eq3A_91 = arith.constant 2 : i32
      %eq3A_92 = vector.broadcast %eq3A_91 : i32 to vector<1x128xi32>
      %eq3A_93 = arith.cmpi eq, %iota3A, %eq3A_92 : vector<1x128xi32>
      %jit3A_94 = arith.constant 0.000000e+00 : f32
      %broadcast_in_dim3A_95 = vector.broadcast %div3A_71 : f32 to vector<1x128xf32>
      %broadcast_in_dim3A_96 = vector.broadcast %jit3A_94 : f32 to vector<1x128xf32>
      %select_n3A_97 = arith.select %eq3A_93, %broadcast_in_dim3A_95, %broadcast_in_dim3A_96 : vector<1x128xi1>, vector<1x128xf32>
      %add3A_98 = arith.addf %add3A_90, %select_n3A_97 : vector<1x128xf32>
      %swap3A_99 = arith.constant 0 : index
      %swap3A_100 = arith.constant 0 : index
      %swap3A_101 = vector.load %arg9[%swap3A_99, %swap3A_100] : memref<1x128xf32, #tpu.memory_space<vmem>>, vector<1x128xf32>
      tpu.vector_store %arg9[%swap3A_99, %swap3A_100], %add3A_98 {strides = array<i32>} : memref<1x128xf32, #tpu.memory_space<vmem>>, vector<1x128xf32>,
    } else {
    }
    return
  }
  func.func @transform_0(%arg0: i32) -> (i32, i32) {
    %c0_i32 = arith.constant 0 : i32
    %c0_i32_0 = arith.constant 0 : i32
    return %arg0, %c0_i32 : i32, i32
  }
  func.func @transform_1(%arg0: i32) -> (i32, i32) {
    %c0_i32 = arith.constant 0 : i32
    %c0_i32_0 = arith.constant 0 : i32
    return %arg0, %c0_i32 : i32, i32
  }
  func.func @transform_2(%arg0: i32) -> (i32, i32) {
    %c0_i32 = arith.constant 0 : i32
    %c0_i32_0 = arith.constant 0 : i32
    return %arg0, %c0_i32 : i32, i32
  }
  func.func @transform_3(%arg0: i32) -> (i32, i32) {
    %c0_i32 = arith.constant 0 : i32
    %c0_i32_0 = arith.constant 0 : i32
    %c0_i32_1 = arith.constant 0 : i32
    return %c0_i32, %c0_i32_0 : i32, i32
  }
  func.func @transform_4(%arg0: i32) -> (i32, i32) {
    %c0_i32 = arith.constant 0 : i32
    %c0_i32_0 = arith.constant 0 : i32
    %c0_i32_1 = arith.constant 0 : i32
    return %c0_i32, %c0_i32_0 : i32, i32
  }
  func.func @transform_5(%arg0: i32) -> (i32, i32) {
    %c0_i32 = arith.constant 0 : i32
    %c0_i32_0 = arith.constant 0 : i32
    %c0_i32_1 = arith.constant 0 : i32
    return %c0_i32, %c0_i32_0 : i32, i32
  }
  func.func @transform_6(%arg0: i32) -> (i32, i32) {
    %c0_i32 = arith.constant 0 : i32
    %c0_i32_0 = arith.constant 0 : i32
    %c0_i32_1 = arith.constant 0 : i32
    return %c0_i32, %c0_i32_0 : i32, i32
  }
  func.func @transform_7(%arg0: i32) -> (i32, i32) {
    %c0_i32 = arith.constant 0 : i32
    %c0_i32_0 = arith.constant 0 : i32
    return %arg0, %c0_i32 : i32, i32
  }
  func.func @transform_8(%arg0: i32) -> (i32, i32) {
    %c0_i32 = arith.constant 0 : i32
    %c0_i32_0 = arith.constant 0 : i32
    %c0_i32_1 = arith.constant 0 : i32
    return %c0_i32, %c0_i32_0 : i32, i32
  }
}

</mosaic_0001>

<sc_bundles>
// kernel: kernel.5.cloned.1.call-start
scs
__scs_entry_jumppad:
0x0: {  	(pc) =	sbr.rel $0x88, $3  }
0x1: {  	(tag) =	ssettag $0x0;
	lr =	simm.s32 $0x1  }
0x2: {  	[smem:$0x3F97] =	sst lr;
	_ =	strace $0xD0000000  }
0x3: {  	_ = 	snop  }
0x4: {  	_ = 	snop  }
0x5: {  	_ = 	snop  }
0x6: {  	_ = 	snop  }
0x7: {  	_ = 	snop  }
__scs_overlays_trampoline_lowered:
0x8: {  	[smem:$0x3FA6] =	sst s0  }
0x9: {  	[smem:$0x3FA7] =	sst s1  }
0xa: {  	[smem:$0x3FA8] =	sst s2  }
0xb: {  	[smem:$0x3FA9] =	sst s3  }
0xc: {  	[smem:$0x3FAA] =	sst s4  }
0xd: {  	[smem:$0x3FAB] =	sst s5  }
0xe: {  	[smem:$0x3FAC] =	sst s6  }
0xf: {  	[smem:$0x3FAD] =	sst s7  }
0x10: {  	[smem:$0x3FAE] =	sst s8  }
0x11: {  	[smem:$0x3FAF] =	sst s9;
	s0 =	simm.s32 @!p0 $0x0  }
0x12: {  	s1 =	sld [smem:$0x3F95];
	s0 =	simm.s32 @p0 $0x1  }
0x13: {  	[smem:$0x3FB0] =	sst s0;
	s0 =	simm.s32 @!p1 $0x0  }
0x14: {  	s2 =	sld [smem:$0x3F94];
	s0 =	simm.s32 @p1 $0x1  }
0x15: {  	[smem:$0x3FB1] =	sst s0;
	s0 =	simm.s32 @!p2 $0x0  }
0x16: {  	s3 =	sld [smem:$0x3FDB];
	s0 =	simm.s32 @p2 $0x1  }
0x17: {  	s4 =	simm.s32 $0x1BF5;
	[smem:$0x3FB3] =	sst s0  }
0x18: {  	s0 =	sld [smem:$0x3F96];
	_ =	swait.ge [sflag:s4], $0x0  }
0x19: {  	s7 =	sld [smem:$0x3F97]  }
0x1a: {  	s8 =	sadd.s32 $0xFFFFE003, lr  }
0x1b: {  	s9 =	sadd.s32 $0xFFFFFEF7, lr;
	s5 =	simm.s32 $0xFFFFFFFF;
	p2 =	slt.u32 s8, $0xFFFFF086  }
0x1c: {  	p1 =	slt.u32 s9, $0xF7A;
	s5 =	simm.s32 @!p2 $0x0  }
0x1d: {  	s5 =	simm.s32 @p1 $0x1;
	p0 =	seq.s32 s7, s2  }
0x1e: {  	s7 =	smul.u32 @!p0 $0xF7A, s2;
	p2 =	seq.s32 @!p0 s5, $0x0  }
0x1f: {  	s9 =	smul.u32 $0xF7A, s1;
	s8 =	simm.s32 @!p0 $0x1BF5;
	p2 =	por !p2, p0  }
0x20: {  	[sflag:s8] =	ssyncset.s32 @!p0 $0xFFFFF086;
	s6 =	sadd.s32 @!p0 s3, s7;
	s7 =	simm.s32 @!p0 $0x108  }
0x21: {  	s3 =	sadd.s32 s3, s9;
	s6 =	sadd.s32 @!p0 $0x88, s6;
	s7 =	simm.s32 @p2 $0x1082  }
0x22: {  	[simem:s7], [sflag:s8] =	dma.local @!p0 [hbm:s6], $0xF7A  }
0x23: {  	s9 =	sor.u32 $0xD0000000, s2;
	s6 =	simm.s32 $0x108;
	_ =	swait.ge @!p0 [sflag:s8], $0x0  }
0x24: {  	s3 =	sadd.s32 $0x88, s3;
	s6 =	simm.s32 @!p1 $0x1082;
	[sflag:s4] =	ssyncset.s32 $0xFFFFF086  }
0x25: {  	[simem:s6], [sflag:s4] =	dma.local [hbm:s3], $0xF7A  }
0x26: {  	[smem:$0x3F97] =	sst s1;
	(tag) =	ssettag s2;
	_ =	strace s9  }
0x27: {  	s1 =	sld [smem:$0x3FA7]  }
0x28: {  	s2 =	sld [smem:$0x3FA8]  }
0x29: {  	s4 =	sld [smem:$0x3FAA]  }
0x2a: {  	p0 =	seq.s32 s5, $0x0;
	s5 =	sld [smem:$0x3FAB]  }
0x2b: {  	s6 =	sld [smem:$0x3FAC]  }
0x2c: {  	s7 =	sld [smem:$0x3FAD]  }
0x2d: {  	s3 =	simm.s32 $0x108;
	s8 =	sld [smem:$0x3FAE]  }
0x2e: {  	s3 =	simm.s32 @!p0 $0x1082;
	s9 =	sld [smem:$0x3FAF]  }
0x2f: {  	lr =	sadd.s32 s0, s3;
	s0 =	sld [smem:$0x3FA6]  }
0x30: {  	s3 =	sld [smem:$0x3FA9]  }
0x31: {  	[smem:$0x3FB2] =	sst s10  }
0x32: {  	s10 =	sld [smem:$0x3FB0];
	_ =	sdelay $0x3  }
0x33: {  	p0 =	seq.s32 s10, $0x1;
	s10 =	sld [smem:$0x3FB2];
	_ =	sdelay $0x3  }
0x34: {  	[smem:$0x3FB2] =	sst s10  }
0x35: {  	s10 =	sld [smem:$0x3FB1];
	_ =	sdelay $0x3  }
0x36: {  	p1 =	seq.s32 s10, $0x1;
	s10 =	sld [smem:$0x3FB2];
	_ =	sdelay $0x3  }
0x37: {  	[smem:$0x3FB2] =	sst s10  }
0x38: {  	s10 =	sld [smem:$0x3FB3]  }
0x39: {  	_ = 	snop;
	(pc) =	sbr.ind lr, $3  }
0x3a: {  	_ = 	snop  }
0x3b: {  	_ = 	snop  }
0x3c: {  	p2 =	seq.s32 s10, $0x1;
	s10 =	sld [smem:$0x3FB2]  }
0x3d: {  	_ =	shalt  }
0x3e: {  	_ =	shalt  }
0x3f: {  	_ =	shalt  }
0x40: {  	_ =	shalt  }
0x41: {  	_ =	shalt  }
0x42: {  	_ =	shalt  }
0x43: {  	_ =	shalt  }
0x44: {  	_ =	shalt  }
0x45: {  	_ =	shalt  }
0x46: {  	_ =	shalt  }
0x47: {  	_ =	shalt  }
0x48: {  	_ =	shalt  }
0x49: {  	_ =	shalt  }
0x4a: {  	_ =	shalt  }
0x4b: {  	_ =	shalt  }
0x4c: {  	_ =	shalt  }
0x4d: {  	_ =	shalt  }
0x4e: {  	_ =	shalt  }
0x4f: {  	_ =	shalt  }
0x50: {  	_ =	shalt  }
0x51: {  	_ =	shalt  }
0x52: {  	_ =	shalt  }
0x53: {  	_ =	shalt  }
0x54: {  	_ =	shalt  }
0x55: {  	_ =	shalt  }
0x56: {  	_ =	shalt  }
0x57: {  	_ =	shalt  }
0x58: {  	_ =	shalt  }
0x59: {  	_ =	shalt  }
0x5a: {  	_ =	shalt  }
0x5b: {  	_ =	shalt  }
0x5c: {  	_ =	shalt  }
0x5d: {  	_ =	shalt  }
0x5e: {  	_ =	shalt  }
0x5f: {  	_ =	shalt  }
0x60: {  	_ =	shalt  }
0x61: {  	_ =	shalt  }
0x62: {  	_ =	shalt  }
0x63: {  	_ =	shalt  }
0x64: {  	_ =	shalt  }
0x65: {  	_ =	shalt  }
0x66: {  	_ =	shalt  }
0x67: {  	_ =	shalt  }
0x68: {  	_ =	shalt  }
0x69: {  	_ =	shalt  }
0x6a: {  	_ =	shalt  }
0x6b: {  	_ =	shalt  }
0x6c: {  	_ =	shalt  }
0x6d: {  	_ =	shalt  }
0x6e: {  	_ =	shalt  }
0x6f: {  	_ =	shalt  }
0x70: {  	_ =	shalt  }
0x71: {  	_ =	shalt  }
0x72: {  	_ =	shalt  }
0x73: {  	_ =	shalt  }
0x74: {  	_ =	shalt  }
0x75: {  	_ =	shalt  }
0x76: {  	_ =	shalt  }
0x77: {  	_ =	shalt  }
0x78: {  	_ =	shalt  }
0x79: {  	_ =	shalt  }
0x7a: {  	_ =	shalt  }
0x7b: {  	_ =	shalt  }
0x7c: {  	_ =	shalt  }
0x7d: {  	_ =	shalt  }
0x7e: {  	_ =	shalt  }
0x7f: {  	_ =	shalt  }
0x80: {  	_ =	shalt  }
0x81: {  	_ =	shalt  }
0x82: {  	_ =	shalt  }
0x83: {  	_ =	shalt  }
0x84: {  	_ =	shalt  }
0x85: {  	_ =	shalt  }
0x86: {  	_ =	shalt  }
0x87: {  	_ =	shalt  }
.Lfunc_end0:
.L_simem_size_0:
called_computation_lowered:
.L_overlay_start_0:
0x88: {  	s2 =	sld [smem:$0x3FD9]  }
0x89: {  	s3 =	sld [smem:$0x3FFE];
	_ =	sdelay $0x1  }
0x8a: {  	s1 =	srdreg.scid  }
0x8b: {  	s0 =	sand.u32 $0x1, s1  }
0x8c: {  	s15 =	sshll.u32 s0, $0xA;
	s2 =	sadd.s32 s3, s2  }
0x8d: {  	s2 =	sadd.s32 s2, s15  }
0x8e: {  	[smem:$0x3FBE] =	sst s2  }
0x8f: {  	_ = 	snop  }
0x90: {  	s2 =	sld [smem:$0x3FD0];
	_ =	sdelay $0x2  }
0x91: {  	s4 =	simm.s32 $0xA;
	s5 =	simm.s32 $0x10;
	s16 =	sld [smem:$0x3FC4]  }
0x92: {  	[smem:s5], [sflag:s4] =	dma.local [hbm:s2], $0x1  }
0x93: {  	_ =	swait.eq [sflag:s4], $0x1  }
0x94: {  	[sflag:s4] =	ssyncset.done $0x0  }
0x95: {  	s17 =	sld [smem:$0x10];
	[sflag:s4] =	ssyncadd.s32 $0xFFFFFFFF  }
0x96: {  	s18 =	sld [smem:$0x11];
	(tm) =	ssettm $0x1  }
0x97: {  	s19 =	sld [smem:$0x3FFB];
	_ =	sdelay $0x3  }
0x98: {  	_ =	strace s19  }
0x99: {  	s5 =	sld [smem:$0x3FFC];
	_ =	sdelay $0x3  }
0x9a: {  	_ =	strace s5  }
0x9b: {  	s5 =	sld [smem:$0x3FFD];
	_ =	sdelay $0x3  }
0x9c: {  	_ =	strace s5  }
0x9d: {  	_ =	strace $0x8FFFFFFF  }
0x9e: {  	s20 =	sld [smem:$0x3FDB];
	_ =	sdelay $0x1  }
0x9f: {  	s6 =	simm.s32 $_scs_section_size  }
0xa0: {  	s7 =	simm.s32 $_size__tile_overlayer_lowered;
	s8 =	simm.s32 $_tile_overlayer_lowered  }
0xa1: {  	s23 =	simm.s32 $0x1BFF;
	s22 =	sshll.u32 s8, $0x1;
	s5 =	sadd.s32 s6, s20  }
0xa2: {  	s9 =	simm.s32 $0x0;
	s21 =	sshll.u32 s7, $0x1;
	s7 =	sadd.s32 s22, s5  }
0xa3: {  	[timem:s9], [sflag:s23] =	dma.local [hbm:s7], s21  }
0xa4: {  	_ =	swait.ge [sflag:s23], s21  }
0xa5: {  	s6 =	ssub.s32 $0x0, s21;
	[sflag:s23] =	ssyncset.done $0x0  }
0xa6: {  	[sflag:s23] =	ssyncadd.s32 s6;
	_ =	sdelay $0x1  }
0xa7: {  	s24 =	simm.s32 $0x1B8B  }
0xa8: {  	_ =	swait.ge [sflag:s24], $0x1  }
0xa9: {  	[sflag:s24] =	ssyncset.done $0x0  }
0xaa: {  	s25 =	simm.s32 $0x1B8E;
	[sflag:s24] =	ssyncadd.s32 $0xFFFFFFFF  }
0xab: {  	s26 =	simm.s32 $execute0_lowered;
	[smem:$0x3FD2] =	sst s25  }
0xac: {  	s6 =	sshll.u32 s26, $0x1;
	_ =	strace $0x80000046;
	[dreg:$0x1] =	wrdreg $0xFFFFFFFF  }
0xad: {  	s28 =	simm.s32 $_size_execute0_lowered;
	s5 =	sadd.s32 s5, s6;
	[dreg:$0x0] =	wrdreg $0x0  }
0xae: {  	s6 =	sshll.u32 s28, $0x1;
	[dreg:$0x2] =	wrdreg s5  }
0xaf: {  	[dreg:$0x3] =	wrdreg s6  }
0xb0: {  	[dreg:$0x4] =	wrdreg $0xC0  }
0xb1: {  	_ =	task [dreg:s9], $0x5FFFF  }
0xb2: {  	[dreg:$0x1] =	wrdreg $0xFFFFFFFF  }
0xb3: {  	[dreg:$0x0] =	wrdreg $0x60  }
0xb4: {  	[dreg:$0x2] =	wrdreg s16  }
0xb5: {  	[dreg:$0x3] =	wrdreg s17  }
0xb6: {  	[dreg:$0x4] =	wrdreg s18  }
0xb7: {  	[dreg:$0x5] =	wrdreg $0x9  }
0xb8: {  	_ =	task.clear_ibuf [dreg:s9], $0x6FFFF;
	_ =	strace $0x90000046  }
0xb9: {  	s29 =	simm.s32 $0x9;
	_ =	strace $0x80000048  }
0xba: {  	_ =	swait.ge [sflag:s29], $0x1  }
0xbb: {  	[sflag:s29] =	ssyncadd.s32 $0xFFFFFFFF  }
0xbc: {  	_ =	strace $0x90000048  }
0xbd: {  	_ =	sfence  }
0xbe: {  	s30 =	sld [smem:$0x0];
	_ =	sdelay $0x2  }
0xbf: {  	s31 =	sshll.u32 s1, $0xD;
	s1 =	sshrl.u32 s1, $0x2  }
0xc0: {  	s3 =	sand.u32 $0x4000, s31;
	s1 =	sadd.s32 s1, s30  }
0xc1: {  	s0 =	sor.u32 s3, s0;
	s1 =	sshll.u32 s1, $0x11  }
0xc2: {  	s0 =	sor.u32 s1, s0  }
0xc3: {  	s0 =	sadd.s32 $0x8F2B, s0  }
0xc4: {  	[sflag:s0] =	ssyncadd.remote.s32 $0x1  }
0xc5: {  	_ =	sfence.sel $0xFFFF  }
0xc6: {  	[dreg:$0x0] =	wrdreg $0xFFFFFFFF;
	(pc) =	sbr.abs _section_cstart, $3  }
0xc7: {  	[dreg:$0x1] =	wrdreg $0xFFFFFFFF  }
0xc8: {  	_ =	task.clear_ibuf [dreg:s9], $0x2FFFF;
	_ =	strace $0x9FFFFFFF  }
0xc9: {  	(tm) =	ssettm $0x7FFFFFFF  }
tec
execute0_lowered:
.L_overlay_start_1:
0x0: {  	(tag) =	ssettag $0x1  }
0x1: {  	s1 =	rddreg [dreg:$0x0]  }
0x2: {  	s0 =	rddreg [dreg:$0x1]  }
0x3: {  	s2 =	rddreg [dreg:$0x2]  }
0x4: {  	s4 =	srdreg.scid;
	s3 =	simm.s32 $0x0;
	s5 =	stileid.u32  }
0x5: {  	s28 =	simm.s32 $0x2900;
	s29 =	simm.s32 $0x3100;
	s30 =	simm.s32 $0x3900  }
0x6: {  	s31 =	simm.s32 $0x4100;
	s10 =	simm.s32 $0x5900;
	s11 =	simm.s32 $0x6100  }
0x7: {  	s12 =	simm.s32 $0x6900;
	s13 =	simm.s32 $0x7100;
	s4 =	sand.u32 $0x1, s4  }
0x8: {  	[smem:$0x7FF] =	sst s3;
	s5 =	sshll.u32 s5, $0x8;
	s6 =	sshll.u32 s4, $0x7  }
0x9: {  	_ =	strace $0x80000047;
	s4 =	ssub.s32 $0x2, s4;
	s5 =	sor.u32 s6, s5  }
0xa: {  	s14 =	sshrl.u32 s4, $0x1;
	s7 =	sshrl.u32 s5, $0x3;
	s8 =	sor.u32 $0x20, s5  }
0xb: {  	s9 =	ssub.s32 s4, s14;
	s18 =	sshll.u32 s5, $0x7;
	s19 =	sor.u32 $0x40, s5  }
0xc: {  	s4 =	sadd.s32 $0x100, s1;
	s5 =	sor.u32 $0x60, s5;
	s14 =	simm.s32 $0x7900  }
0xd: {  	s15 =	sadd.s32 s0, s7;
	s16 =	sshrl.u32 s8, $0x3;
	s6 =	sadd.s32 s2, s18  }
0xe: {  	s20 =	sshrl.u32 s19, $0x3;
	s8 =	sshll.u32 s8, $0x7;
	s22 =	sshrl.u32 s5, $0x3  }
0xf: {  	s23 =	sshll.u32 s19, $0x7;
	s25 =	sshll.u32 s5, $0x7;
	s5 =	sadd.s32 $0x200, s1  }
0x10: {  	s7 =	smax.u32 s9, $0x1;
	s19 =	simm.s32 $0x1;
	s9 =	simm.s32 $0x4900  }
0x11: {  	s18 =	simm.s32 $0x9900;
	[dreg:$0x4] =	wrdreg s15;
	s17 =	sadd.s32 s0, s16  }
0x12: {  	[dreg:$0x6] =	wrdreg s6;
	s6 =	sadd.s32 s0, s20;
	s21 =	sadd.s32 s2, s8  }
0x13: {  	s0 =	sadd.s32 s0, s22;
	s24 =	sadd.s32 s2, s23;
	[dreg:$0x5] =	wrdreg s17  }
0x14: {  	s26 =	sadd.s32 s2, s25;
	s8 =	simm.s32 $0x3;
	[dreg:$0x7] =	wrdreg s6  }
0x15: {  	s20 =	simm.s32 $0x2;
	s22 =	simm.s32 $0x900;
	[dreg:$0x8] =	wrdreg s21  }
0x16: {  	s23 =	simm.s32 $0x1100;
	s25 =	simm.s32 $0x2100;
	[dreg:$0x9] =	wrdreg s0  }
0x17: {  	v2 =	vlaneseq.u32;
	s15 =	simm.s32 $0x80;
	s16 =	simm.s32 $0x8900;
	[dreg:$0xa] =	wrdreg s24  }
0x18: {  	vm0 =	vmmov $0xffff;
	v1 =	vshrl.u32 v2, $0x3;
	s6 =	sadd.s32 $0x300, s1;
	[dreg:$0xb] =	wrdreg s26;
	s26 =	simm.s32 $0x100  }
0x19: {  	v0 =	vand.u32 $0x7, v2;
	v2 =	vor.u32 $0x8, v2;
	v1 =	vmul.u32 $0x8, v1;
	s24 =	simm.s32 $0x1900;
	s0 =	simm.s32 $0x8100;
	s17 =	simm.s32 $0x9100  }
.LBB2_1:
0x1a: {  	s21 =	rddreg [dreg:$0x4]  }
0x1b: {  	[tilespmem:s3], [sflag:$0x3] =	stream.linear.gather [hbm4b:s21+s3], $0x20, $0x38;
	[tilespmem:$0x10100] =	vst v63  }
0x1c: {  	_ =	swait.ge [sflag:s8], $0x20  }
0x1d: {  	[sflag:s8] =	ssyncset.done $0x0  }
0x1e: {  	[sflag:s8] =	ssyncadd.s32 $0xFFFFFFE0  }
0x1f: {  	v3 =	vld [tilespmem:$0x0];
	_ =	sdelay $0x4  }
0x20: {  	v4 =	vshll.u32 v3, $0x3  }
0x21: {  	v3 =	vand.u32 $0x7, v3;
	v4 =	vand.u32 $0xFFFFFFC0, v4  }
0x22: {  	v3 =	vor.u32 v3, v4  }
0x23: {  	v4 =	vperm.xlane v3, v0;
	_ =	sdelay $0x1  }
0x24: {  	v4 =	vadd.s32 v1, v4;
	_ =	sdelay $0x4  }
0x25: {  	[tilespmem:s26], [sflag:$0x1] =	stream.indirect_vreg.gather [hbm4b:s1+s3], $0x80, v4, vm0, $0xb8;
	[tilespmem:$0x10100] =	vst v63  }
0x26: {  	v3 =	vperm.xlane v3, v2  }
0x27: {  	[tilespmem:s22], [sflag:$0x1] =	stream.indirect_vreg.gather [hbm4b:s4+s3], $0x80, v4, vm0, $0xb8;
	[tilespmem:$0x10100] =	vst v63  }
0x28: {  	v3 =	vadd.s32 v1, v3  }
0x29: {  	[tilespmem:s23], [sflag:$0x1] =	stream.indirect_vreg.gather [hbm4b:s5+s3], $0x80, v4, vm0, $0xb8;
	[tilespmem:$0x10100] =	vst v63  }
0x2a: {  	_ = 	snop  }
0x2b: {  	[tilespmem:s24], [sflag:$0x1] =	stream.indirect_vreg.gather [hbm4b:s6+s3], $0x80, v4, vm0, $0xb8;
	[tilespmem:$0x10100] =	vst v63  }
0x2c: {  	_ = 	snop  }
0x2d: {  	[tilespmem:s25], [sflag:$0x1] =	stream.indirect_vreg.gather [hbm4b:s1+s3], $0x80, v3, vm0, $0xb8;
	[tilespmem:$0x10100] =	vst v63  }
0x2e: {  	_ = 	snop  }
0x2f: {  	[tilespmem:s28], [sflag:$0x1] =	stream.indirect_vreg.gather [hbm4b:s4+s3], $0x80, v3, vm0, $0xb8;
	[tilespmem:$0x10100] =	vst v63  }
0x30: {  	_ = 	snop  }
0x31: {  	[tilespmem:s29], [sflag:$0x1] =	stream.indirect_vreg.gather [hbm4b:s5+s3], $0x80, v3, vm0, $0xb8;
	[tilespmem:$0x10100] =	vst v63  }
0x32: {  	_ = 	snop  }
0x33: {  	[tilespmem:s30], [sflag:$0x1] =	stream.indirect_vreg.gather [hbm4b:s6+s3], $0x80, v3, vm0, $0xb8;
	[tilespmem:$0x10100] =	vst v63  }
0x34: {  	v3 =	vld [tilespmem:$0x10];
	_ =	sdelay $0x4  }
0x35: {  	v57 =	vshll.u32 v3, $0x3  }
0x36: {  	v3 =	vand.u32 $0x7, v3;
	v4 =	vand.u32 $0xFFFFFFC0, v57  }
0x37: {  	v3 =	vor.u32 v3, v4  }
0x38: {  	v4 =	vperm.xlane v3, v0;
	_ =	sdelay $0x1  }
0x39: {  	v4 =	vadd.s32 v1, v4;
	_ =	sdelay $0x4  }
0x3a: {  	[tilespmem:s31], [sflag:$0x1] =	stream.indirect_vreg.gather [hbm4b:s1+s3], $0x80, v4, vm0, $0xb8;
	[tilespmem:$0x10100] =	vst v63  }
0x3b: {  	v3 =	vperm.xlane v3, v2  }
0x3c: {  	[tilespmem:s9], [sflag:$0x1] =	stream.indirect_vreg.gather [hbm4b:s4+s3], $0x80, v4, vm0, $0xb8;
	[tilespmem:$0x10100] =	vst v63  }
0x3d: {  	s2 =	simm.s32 $0x5100;
	v3 =	vadd.s32 v1, v3  }
0x3e: {  	[tilespmem:s2], [sflag:$0x1] =	stream.indirect_vreg.gather [hbm4b:s5+s3], $0x80, v4, vm0, $0xb8;
	[tilespmem:$0x10100] =	vst v63  }
0x3f: {  	_ = 	snop  }
0x40: {  	[tilespmem:s10], [sflag:$0x1] =	stream.indirect_vreg.gather [hbm4b:s6+s3], $0x80, v4, vm0, $0xb8;
	[tilespmem:$0x10100] =	vst v63  }
0x41: {  	_ = 	snop  }
0x42: {  	[tilespmem:s11], [sflag:$0x1] =	stream.indirect_vreg.gather [hbm4b:s1+s3], $0x80, v3, vm0, $0xb8;
	[tilespmem:$0x10100] =	vst v63  }
0x43: {  	_ = 	snop  }
0x44: {  	[tilespmem:s12], [sflag:$0x1] =	stream.indirect_vreg.gather [hbm4b:s4+s3], $0x80, v3, vm0, $0xb8;
	[tilespmem:$0x10100] =	vst v63  }
0x45: {  	_ = 	snop  }
0x46: {  	[tilespmem:s13], [sflag:$0x1] =	stream.indirect_vreg.gather [hbm4b:s5+s3], $0x80, v3, vm0, $0xb8;
	[tilespmem:$0x10100] =	vst v63  }
0x47: {  	_ = 	snop  }
0x48: {  	[tilespmem:s14], [sflag:$0x1] =	stream.indirect_vreg.gather [hbm4b:s6+s3], $0x80, v3, vm0, $0xb8;
	[tilespmem:$0x10100] =	vst v63  }
0x49: {  	s21 =	rddreg [dreg:$0x5]  }
0x4a: {  	[tilespmem:s15], [sflag:$0x3] =	stream.linear.gather [hbm4b:s21+s3], $0x20, $0x38;
	[tilespmem:$0x10100] =	vst v63  }
0x4b: {  	_ =	swait.ge [sflag:s8], $0x20  }
0x4c: {  	[sflag:s8] =	ssyncset.done $0x0  }
0x4d: {  	[sflag:s8] =	ssyncadd.s32 $0xFFFFFFE0  }
0x4e: {  	v3 =	vld [tilespmem:$0x80];
	_ =	sdelay $0x4  }
0x4f: {  	v58 =	vshll.u32 v3, $0x3  }
0x50: {  	v3 =	vand.u32 $0x7, v3;
	v4 =	vand.u32 $0xFFFFFFC0, v58  }
0x51: {  	v3 =	vor.u32 v3, v4  }
0x52: {  	v4 =	vperm.xlane v3, v0;
	_ =	sdelay $0x1  }
0x53: {  	v4 =	vadd.s32 v1, v4;
	_ =	sdelay $0x4  }
0x54: {  	[tilespmem:s0], [sflag:$0x2] =	stream.indirect_vreg.gather [hbm4b:s1+s3], $0x80, v4, vm0, $0xb8;
	[tilespmem:$0x10100] =	vst v63  }
0x55: {  	v3 =	vperm.xlane v3, v2  }
0x56: {  	[tilespmem:s16], [sflag:$0x2] =	stream.indirect_vreg.gather [hbm4b:s4+s3], $0x80, v4, vm0, $0xb8;
	[tilespmem:$0x10100] =	vst v63  }
0x57: {  	v3 =	vadd.s32 v1, v3  }
0x58: {  	[tilespmem:s17], [sflag:$0x2] =	stream.indirect_vreg.gather [hbm4b:s5+s3], $0x80, v4, vm0, $0xb8;
	[tilespmem:$0x10100] =	vst v63  }
0x59: {  	_ = 	snop  }
0x5a: {  	[tilespmem:s18], [sflag:$0x2] =	stream.indirect_vreg.gather [hbm4b:s6+s3], $0x80, v4, vm0, $0xb8;
	[tilespmem:$0x10100] =	vst v63  }
0x5b: {  	s21 =	simm.s32 $0xA100  }
0x5c: {  	[tilespmem:s21], [sflag:$0x2] =	stream.indirect_vreg.gather [hbm4b:s1+s3], $0x80, v3, vm0, $0xb8;
	[tilespmem:$0x10100] =	vst v63  }
0x5d: {  	s21 =	simm.s32 $0xA900  }
0x5e: {  	[tilespmem:s21], [sflag:$0x2] =	stream.indirect_vreg.gather [hbm4b:s4+s3], $0x80, v3, vm0, $0xb8;
	[tilespmem:$0x10100] =	vst v63  }
0x5f: {  	s21 =	simm.s32 $0xB100  }
0x60: {  	[tilespmem:s21], [sflag:$0x2] =	stream.indirect_vreg.gather [hbm4b:s5+s3], $0x80, v3, vm0, $0xb8;
	[tilespmem:$0x10100] =	vst v63  }
0x61: {  	s21 =	simm.s32 $0xB900  }
0x62: {  	[tilespmem:s21], [sflag:$0x2] =	stream.indirect_vreg.gather [hbm4b:s6+s3], $0x80, v3, vm0, $0xb8;
	[tilespmem:$0x10100] =	vst v63  }
0x63: {  	v3 =	vld [tilespmem:$0x90];
	_ =	sdelay $0x4  }
0x64: {  	v59 =	vshll.u32 v3, $0x3  }
0x65: {  	v3 =	vand.u32 $0x7, v3;
	v4 =	vand.u32 $0xFFFFFFC0, v59  }
0x66: {  	v3 =	vor.u32 v3, v4  }
0x67: {  	v4 =	vperm.xlane v3, v0;
	_ =	sdelay $0x1  }
0x68: {  	v4 =	vadd.s32 v1, v4;
	_ =	sdelay $0x3  }
0x69: {  	s21 =	simm.s32 $0xC100  }
0x6a: {  	[tilespmem:s21], [sflag:$0x2] =	stream.indirect_vreg.gather [hbm4b:s1+s3], $0x80, v4, vm0, $0xb8;
	[tilespmem:$0x10100] =	vst v63  }
0x6b: {  	v3 =	vperm.xlane v3, v2;
	s21 =	simm.s32 $0xC900  }
0x6c: {  	[tilespmem:s21], [sflag:$0x2] =	stream.indirect_vreg.gather [hbm4b:s4+s3], $0x80, v4, vm0, $0xb8;
	[tilespmem:$0x10100] =	vst v63  }
0x6d: {  	v3 =	vadd.s32 v1, v3;
	s21 =	simm.s32 $0xD100  }
0x6e: {  	[tilespmem:s21], [sflag:$0x2] =	stream.indirect_vreg.gather [hbm4b:s5+s3], $0x80, v4, vm0, $0xb8;
	[tilespmem:$0x10100] =	vst v63  }
0x6f: {  	s21 =	simm.s32 $0xD900  }
0x70: {  	[tilespmem:s21], [sflag:$0x2] =	stream.indirect_vreg.gather [hbm4b:s6+s3], $0x80, v4, vm0, $0xb8;
	[tilespmem:$0x10100] =	vst v63  }
0x71: {  	s21 =	simm.s32 $0xE100  }
0x72: {  	[tilespmem:s21], [sflag:$0x2] =	stream.indirect_vreg.gather [hbm4b:s1+s3], $0x80, v3, vm0, $0xb8;
	[tilespmem:$0x10100] =	vst v63  }
0x73: {  	s21 =	simm.s32 $0xE900  }
0x74: {  	[tilespmem:s21], [sflag:$0x2] =	stream.indirect_vreg.gather [hbm4b:s4+s3], $0x80, v3, vm0, $0xb8;
	[tilespmem:$0x10100] =	vst v63  }
0x75: {  	s21 =	simm.s32 $0xF100  }
0x76: {  	[tilespmem:s21], [sflag:$0x2] =	stream.indirect_vreg.gather [hbm4b:s5+s3], $0x80, v3, vm0, $0xb8;
	[tilespmem:$0x10100] =	vst v63  }
0x77: {  	s21 =	simm.s32 $0xF900  }
0x78: {  	[tilespmem:s21], [sflag:$0x2] =	stream.indirect_vreg.gather [hbm4b:s6+s3], $0x80, v3, vm0, $0xb8;
	[tilespmem:$0x10100] =	vst v63  }
0x79: {  	_ =	swait.ge [sflag:s19], $0x8000  }
0x7a: {  	[sflag:s19] =	ssyncset.done $0x0  }
0x7b: {  	s21 =	rddreg [dreg:$0x6];
	[sflag:s19] =	ssyncadd.s32 $0xFFFF8000  }
0x7c: {  	[hbm4b:s21+s3] =	stream.linear.scatter [tilespmem:s26], [sflag:$0x3], $0x8000, $0x38;
	[tilespmem:$0x10100] =	vst v63  }
0x7d: {  	_ =	swait.ge [sflag:s8], $0x8000  }
0x7e: {  	[sflag:s8] =	ssyncset.done $0x0  }
0x7f: {  	s21 =	rddreg [dreg:$0x7];
	[sflag:s8] =	ssyncadd.s32 $0xFFFF8000  }
0x80: {  	[tilespmem:s3], [sflag:$0x3] =	stream.linear.gather [hbm4b:s21+s3], $0x20, $0x38;
	[tilespmem:$0x10100] =	vst v63  }
0x81: {  	_ =	swait.ge [sflag:s8], $0x20  }
0x82: {  	[sflag:s8] =	ssyncset.done $0x0  }
0x83: {  	[sflag:s8] =	ssyncadd.s32 $0xFFFFFFE0  }
0x84: {  	v3 =	vld [tilespmem:$0x0];
	_ =	sdelay $0x4  }
0x85: {  	v60 =	vshll.u32 v3, $0x3  }
0x86: {  	v3 =	vand.u32 $0x7, v3;
	v4 =	vand.u32 $0xFFFFFFC0, v60  }
0x87: {  	v3 =	vor.u32 v3, v4  }
0x88: {  	v4 =	vperm.xlane v3, v0;
	_ =	sdelay $0x1  }
0x89: {  	v4 =	vadd.s32 v1, v4;
	_ =	sdelay $0x4  }
0x8a: {  	[tilespmem:s26], [sflag:$0x1] =	stream.indirect_vreg.gather [hbm4b:s1+s3], $0x80, v4, vm0, $0xb8;
	[tilespmem:$0x10100] =	vst v63  }
0x8b: {  	v3 =	vperm.xlane v3, v2  }
0x8c: {  	[tilespmem:s22], [sflag:$0x1] =	stream.indirect_vreg.gather [hbm4b:s4+s3], $0x80, v4, vm0, $0xb8;
	[tilespmem:$0x10100] =	vst v63  }
0x8d: {  	v3 =	vadd.s32 v1, v3  }
0x8e: {  	[tilespmem:s23], [sflag:$0x1] =	stream.indirect_vreg.gather [hbm4b:s5+s3], $0x80, v4, vm0, $0xb8;
	[tilespmem:$0x10100] =	vst v63  }
0x8f: {  	_ = 	snop  }
0x90: {  	[tilespmem:s24], [sflag:$0x1] =	stream.indirect_vreg.gather [hbm4b:s6+s3], $0x80, v4, vm0, $0xb8;
	[tilespmem:$0x10100] =	vst v63  }
0x91: {  	_ = 	snop  }
0x92: {  	[tilespmem:s25], [sflag:$0x1] =	stream.indirect_vreg.gather [hbm4b:s1+s3], $0x80, v3, vm0, $0xb8;
	[tilespmem:$0x10100] =	vst v63  }
0x93: {  	_ = 	snop  }
0x94: {  	[tilespmem:s28], [sflag:$0x1] =	stream.indirect_vreg.gather [hbm4b:s4+s3], $0x80, v3, vm0, $0xb8;
	[tilespmem:$0x10100] =	vst v63  }
0x95: {  	_ = 	snop  }
0x96: {  	[tilespmem:s29], [sflag:$0x1] =	stream.indirect_vreg.gather [hbm4b:s5+s3], $0x80, v3, vm0, $0xb8;
	[tilespmem:$0x10100] =	vst v63  }
0x97: {  	_ = 	snop  }
0x98: {  	[tilespmem:s30], [sflag:$0x1] =	stream.indirect_vreg.gather [hbm4b:s6+s3], $0x80, v3, vm0, $0xb8;
	[tilespmem:$0x10100] =	vst v63  }
0x99: {  	v3 =	vld [tilespmem:$0x10];
	_ =	sdelay $0x4  }
0x9a: {  	v61 =	vshll.u32 v3, $0x3  }
0x9b: {  	v3 =	vand.u32 $0x7, v3;
	v4 =	vand.u32 $0xFFFFFFC0, v61  }
0x9c: {  	v3 =	vor.u32 v3, v4  }
0x9d: {  	v4 =	vperm.xlane v3, v0;
	_ =	sdelay $0x1  }
0x9e: {  	v4 =	vadd.s32 v1, v4;
	_ =	sdelay $0x4  }
0x9f: {  	[tilespmem:s31], [sflag:$0x1] =	stream.indirect_vreg.gather [hbm4b:s1+s3], $0x80, v4, vm0, $0xb8;
	[tilespmem:$0x10100] =	vst v63  }
0xa0: {  	v3 =	vperm.xlane v3, v2  }
0xa1: {  	[tilespmem:s9], [sflag:$0x1] =	stream.indirect_vreg.gather [hbm4b:s4+s3], $0x80, v4, vm0, $0xb8;
	[tilespmem:$0x10100] =	vst v63  }
0xa2: {  	v3 =	vadd.s32 v1, v3  }
0xa3: {  	[tilespmem:s2], [sflag:$0x1] =	stream.indirect_vreg.gather [hbm4b:s5+s3], $0x80, v4, vm0, $0xb8;
	[tilespmem:$0x10100] =	vst v63  }
0xa4: {  	_ = 	snop  }
0xa5: {  	[tilespmem:s10], [sflag:$0x1] =	stream.indirect_vreg.gather [hbm4b:s6+s3], $0x80, v4, vm0, $0xb8;
	[tilespmem:$0x10100] =	vst v63  }
0xa6: {  	_ = 	snop  }
0xa7: {  	[tilespmem:s11], [sflag:$0x1] =	stream.indirect_vreg.gather [hbm4b:s1+s3], $0x80, v3, vm0, $0xb8;
	[tilespmem:$0x10100] =	vst v63  }
0xa8: {  	_ = 	snop  }
0xa9: {  	[tilespmem:s12], [sflag:$0x1] =	stream.indirect_vreg.gather [hbm4b:s4+s3], $0x80, v3, vm0, $0xb8;
	[tilespmem:$0x10100] =	vst v63  }
0xaa: {  	_ = 	snop  }
0xab: {  	[tilespmem:s13], [sflag:$0x1] =	stream.indirect_vreg.gather [hbm4b:s5+s3], $0x80, v3, vm0, $0xb8;
	[tilespmem:$0x10100] =	vst v63  }
0xac: {  	_ = 	snop  }
0xad: {  	[tilespmem:s14], [sflag:$0x1] =	stream.indirect_vreg.gather [hbm4b:s6+s3], $0x80, v3, vm0, $0xb8;
	[tilespmem:$0x10100] =	vst v63  }
0xae: {  	_ =	swait.ge [sflag:s20], $0x8000  }
0xaf: {  	[sflag:s20] =	ssyncset.done $0x0  }
0xb0: {  	s2 =	rddreg [dreg:$0x8];
	[sflag:s20] =	ssyncadd.s32 $0xFFFF8000  }
0xb1: {  	[hbm4b:s2+s3] =	stream.linear.scatter [tilespmem:s0], [sflag:$0x3], $0x8000, $0x38;
	[tilespmem:$0x10100] =	vst v63  }
0xb2: {  	_ =	swait.ge [sflag:s8], $0x8000  }
0xb3: {  	[sflag:s8] =	ssyncset.done $0x0  }
0xb4: {  	s2 =	rddreg [dreg:$0x9];
	[sflag:s8] =	ssyncadd.s32 $0xFFFF8000  }
0xb5: {  	[tilespmem:s15], [sflag:$0x3] =	stream.linear.gather [hbm4b:s2+s3], $0x20, $0x38;
	[tilespmem:$0x10100] =	vst v63  }
0xb6: {  	_ =	swait.ge [sflag:s8], $0x20  }
0xb7: {  	[sflag:s8] =	ssyncset.done $0x0  }
0xb8: {  	[sflag:s8] =	ssyncadd.s32 $0xFFFFFFE0  }
0xb9: {  	v3 =	vld [tilespmem:$0x80];
	_ =	sdelay $0x4  }
0xba: {  	v62 =	vshll.u32 v3, $0x3  }
0xbb: {  	v3 =	vand.u32 $0x7, v3;
	v4 =	vand.u32 $0xFFFFFFC0, v62  }
0xbc: {  	v3 =	vor.u32 v3, v4  }
0xbd: {  	v4 =	vperm.xlane v3, v0;
	_ =	sdelay $0x1  }
0xbe: {  	v4 =	vadd.s32 v1, v4;
	_ =	sdelay $0x4  }
0xbf: {  	[tilespmem:s0], [sflag:$0x2] =	stream.indirect_vreg.gather [hbm4b:s1+s3], $0x80, v4, vm0, $0xb8;
	[tilespmem:$0x10100] =	vst v63  }
0xc0: {  	v3 =	vperm.xlane v3, v2  }
0xc1: {  	[tilespmem:s16], [sflag:$0x2] =	stream.indirect_vreg.gather [hbm4b:s4+s3], $0x80, v4, vm0, $0xb8;
	[tilespmem:$0x10100] =	vst v63  }
0xc2: {  	v3 =	vadd.s32 v1, v3  }
0xc3: {  	[tilespmem:s17], [sflag:$0x2] =	stream.indirect_vreg.gather [hbm4b:s5+s3], $0x80, v4, vm0, $0xb8;
	[tilespmem:$0x10100] =	vst v63  }
0xc4: {  	_ = 	snop  }
0xc5: {  	[tilespmem:s18], [sflag:$0x2] =	stream.indirect_vreg.gather [hbm4b:s6+s3], $0x80, v4, vm0, $0xb8;
	[tilespmem:$0x10100] =	vst v63  }
0xc6: {  	s21 =	simm.s32 $0xA100  }
0xc7: {  	[tilespmem:s21], [sflag:$0x2] =	stream.indirect_vreg.gather [hbm4b:s1+s3], $0x80, v3, vm0, $0xb8;
	[tilespmem:$0x10100] =	vst v63  }
0xc8: {  	s21 =	simm.s32 $0xA900  }
0xc9: {  	[tilespmem:s21], [sflag:$0x2] =	stream.indirect_vreg.gather [hbm4b:s4+s3], $0x80, v3, vm0, $0xb8;
	[tilespmem:$0x10100] =	vst v63  }
0xca: {  	s21 =	simm.s32 $0xB100  }
0xcb: {  	[tilespmem:s21], [sflag:$0x2] =	stream.indirect_vreg.gather [hbm4b:s5+s3], $0x80, v3, vm0, $0xb8;
	[tilespmem:$0x10100] =	vst v63  }
0xcc: {  	s21 =	simm.s32 $0xB900  }
0xcd: {  	[tilespmem:s21], [sflag:$0x2] =	stream.indirect_vreg.gather [hbm4b:s6+s3], $0x80, v3, vm0, $0xb8;
	[tilespmem:$0x10100] =	vst v63  }
0xce: {  	v3 =	vld [tilespmem:$0x90];
	_ =	sdelay $0x4  }
0xcf: {  	v63 =	vshll.u32 v3, $0x3  }
0xd0: {  	v3 =	vand.u32 $0x7, v3;
	v4 =	vand.u32 $0xFFFFFFC0, v63  }
0xd1: {  	v3 =	vor.u32 v3, v4  }
0xd2: {  	v4 =	vperm.xlane v3, v0;
	_ =	sdelay $0x1  }
0xd3: {  	v4 =	vadd.s32 v1, v4;
	_ =	sdelay $0x3  }
0xd4: {  	s21 =	simm.s32 $0xC100  }
0xd5: {  	[tilespmem:s21], [sflag:$0x2] =	stream.indirect_vreg.gather [hbm4b:s1+s3], $0x80, v4, vm0, $0xb8;
	[tilespmem:$0x10100] =	vst v63  }
0xd6: {  	v3 =	vperm.xlane v3, v2;
	s21 =	simm.s32 $0xC900  }
0xd7: {  	[tilespmem:s21], [sflag:$0x2] =	stream.indirect_vreg.gather [hbm4b:s4+s3], $0x80, v4, vm0, $0xb8;
	[tilespmem:$0x10100] =	vst v63  }
0xd8: {  	v3 =	vadd.s32 v1, v3;
	s21 =	simm.s32 $0xD100  }
0xd9: {  	[tilespmem:s21], [sflag:$0x2] =	stream.indirect_vreg.gather [hbm4b:s5+s3], $0x80, v4, vm0, $0xb8;
	[tilespmem:$0x10100] =	vst v63  }
0xda: {  	s21 =	simm.s32 $0xD900  }
0xdb: {  	[tilespmem:s21], [sflag:$0x2] =	stream.indirect_vreg.gather [hbm4b:s6+s3], $0x80, v4, vm0, $0xb8;
	[tilespmem:$0x10100] =	vst v63  }
0xdc: {  	s21 =	simm.s32 $0xE100  }
0xdd: {  	[tilespmem:s21], [sflag:$0x2] =	stream.indirect_vreg.gather [hbm4b:s1+s3], $0x80, v3, vm0, $0xb8;
	[tilespmem:$0x10100] =	vst v63  }
0xde: {  	s21 =	simm.s32 $0xE900  }
0xdf: {  	[tilespmem:s21], [sflag:$0x2] =	stream.indirect_vreg.gather [hbm4b:s4+s3], $0x80, v3, vm0, $0xb8;
	[tilespmem:$0x10100] =	vst v63  }
0xe0: {  	s21 =	simm.s32 $0xF100  }
0xe1: {  	[tilespmem:s21], [sflag:$0x2] =	stream.indirect_vreg.gather [hbm4b:s5+s3], $0x80, v3, vm0, $0xb8;
	[tilespmem:$0x10100] =	vst v63  }
0xe2: {  	s21 =	simm.s32 $0xF900  }
0xe3: {  	[tilespmem:s21], [sflag:$0x2] =	stream.indirect_vreg.gather [hbm4b:s6+s3], $0x80, v3, vm0, $0xb8;
	[tilespmem:$0x10100] =	vst v63  }
0xe4: {  	_ =	swait.ge [sflag:s19], $0x8000  }
0xe5: {  	[sflag:s19] =	ssyncset.done $0x0  }
0xe6: {  	s2 =	rddreg [dreg:$0xa];
	[sflag:s19] =	ssyncadd.s32 $0xFFFF8000  }
0xe7: {  	[hbm4b:s2+s3] =	stream.linear.scatter [tilespmem:s26], [sflag:$0x3], $0x8000, $0x38;
	[tilespmem:$0x10100] =	vst v63  }
0xe8: {  	_ =	swait.ge [sflag:s8], $0x8000  }
0xe9: {  	[sflag:s8] =	ssyncset.done $0x0  }
0xea: {  	[sflag:s8] =	ssyncadd.s32 $0xFFFF8000  }
0xeb: {  	_ =	swait.ge [sflag:s20], $0x8000  }
0xec: {  	p0 =	sne.s32 s7, $0x1;
	[sflag:s20] =	ssyncset.done $0x0  }
.Ltmp0:
0xed: {  	s2 =	rddreg [dreg:$0xb];
	[sflag:s20] =	ssyncadd.s32 $0xFFFF8000;
	(pc) =	sbr.rel @p0 .LBB2_1-.Ltmp0, $4  }
0xee: {  	[hbm4b:s2+s3] =	stream.linear.scatter [tilespmem:s0], [sflag:$0x3], $0x8000, $0x38;
	[tilespmem:$0x10100] =	vst v63  }
0xef: {  	_ =	swait.ge [sflag:s8], $0x8000  }
0xf0: {  	[sflag:s8] =	ssyncset.done $0x0  }
0xf1: {  	s7 =	sadd.s32 $0xFFFFFFFF, s7;
	[sflag:s8] =	ssyncadd.s32 $0xFFFF8000  }
0xf2: {  	_ =	sfence.sel $0x180000  }
0xf3: {  	[bflag:$0x0] =	sbarrier.arrive $0xFFFF  }
0xf4: {  	_ =	strace $0x90000047  }
0xf5: {  	s0 =	stileid.u32;
	[bflag:$0x2] =	sbarrier.arrive $0xFFFF  }
0xf6: {  	p0 =	sne.s32 s0, $0x0;
	s0 =	rddreg [dreg:$0x3]  }
0xf7: {  	s0 =	sadd.s32 @!p0 $0x100000, s0  }
0xf8: {  	[sflag:s0] =	ssyncadd.tile.s32 @!p0 $0x1;
	_ =	shalt  }
.Lfunc_end2:
_tile_overlayer_lowered:
.L_overlay_start_2:
0xf9: {  	(tag) =	ssettag $0x2  }
0xfa: {  	s0 =	rddreg [dreg:$0x0];
	s2 =	stileid.u32  }
0xfb: {  	s1 =	rddreg [dreg:$0x1];
	p0 =	sne.s32 s2, $0x0  }
0xfc: {  	s3 =	rddreg [dreg:$0x2];
	[bflag:$0x3] =	sbarrier.arrive $0xFFFF;
	s2 =	simm.s32 @!p0 $0x1C03  }
0xfd: {  	[timem:s3], [sflag:s2] =	dma.local @!p0 [hbm:s0], s1  }
0xfe: {  	s0 =	simm.s32 @!p0 $0x3  }
0xff: {  	_ =	swait.ge @!p0 [sflag:s0], s1  }
0x100: {  	s1 =	ssub.s32 @!p0 $0x0, s1;
	[sflag:s0] =	ssyncset.done @!p0 $0x0  }
0x101: {  	[sflag:s0] =	ssyncadd.s32 @!p0 s1  }
0x102: {  	[bflag:$0x3] =	sbarrier.arrive $0xFFFF  }
0x103: {  	_ =	shalt  }

</sc_bundles>
